<compile_context>
chip_gen: v7x
topology: tpu7x:2x2x1
jax: 0.10.2.dev20260603
libtpu: 0.0.44.dev20260713+nightly
codegen_flags: <defaults>
</compile_context>

<pallas_src>
import functools

import jax
import jax.numpy as jnp
from jax import lax
from jax.experimental import pallas as pl
from jax.experimental.pallas import tpu as pltpu
from jax.experimental.pallas import tpu_sc as plsc

B, T, G = 16, 512, 128
H, GH = 768, 128
L = T + G + 3
LPAD = 672
LOUT = 648
HALF = 336
KCH = 48
NCH = 6
GHALF = G // 2


def _sc_pack(text_hbm, tag_hbm, uid_hbm, word_hbm, bert_hbm, gnn_hbm,
             user_hbm, base_hbm, bertc_hbm, gnnc_hbm, ue_hbm,
             tids_v, gids_v, wsrc_v, tcmp_v, wbuf0_v, wbuf1_v, wbuf2_v, gbuf_v,
             ubuf_v, uidx_v, sg0, sg1, sg2, sw0, sw1, sw2, sm):
    cid = lax.axis_index("c")
    sid = lax.axis_index("s")
    b = cid * 8 + sid // 2
    h = sid % 2
    lane = lax.iota(jnp.int32, 16)
    zero16 = jnp.zeros((16,), jnp.int32)

    pltpu.sync_copy(text_hbm.at[b], tids_v)
    pltpu.sync_copy(tag_hbm.at[b], gids_v)

    def zbody(i, c):
        wsrc_v[pl.ds(i * 16, 16)] = zero16
        return c
    lax.fori_loop(0, LPAD // 16, zbody, 0)

    def z2body(i, c):
        tcmp_v[pl.ds(i * 16, 16)] = zero16
        return c
    lax.fori_loop(0, G // 16, z2body, 0)

    def tbody(j, cnt):
        v = tids_v[pl.ds(j * 16, 16)]
        m = (v > 0) & ((lane + j * 16) > 0)
        mi = m.astype(jnp.int32)
        cs = plsc.cumsum(mi) + cnt
        plsc.store_scatter(wsrc_v, [cs + 2], v, mask=m)
        return cnt + jnp.sum(mi)
    text_cnt = lax.fori_loop(0, T // 16, tbody, jnp.int32(0))
    text_end = text_cnt + 3

    def gbody(j, cnt):
        v = gids_v[pl.ds(j * 16, 16)]
        m = v > 0
        mi = m.astype(jnp.int32)
        cs = plsc.cumsum(mi) + cnt
        plsc.store_scatter(tcmp_v, [cs - 1], v, mask=m)
        return cnt + jnp.sum(mi)
    tag_cnt = lax.fori_loop(0, G // 16, gbody, jnp.int32(0))
    tag_end = text_end + tag_cnt

    sep_col = jnp.where(text_cnt > 0, text_cnt, T - 1)
    sep_vec = plsc.load_gather(tids_v, [jnp.broadcast_to(sep_col, (16,))])
    cls_vec = plsc.load_gather(tids_v, [zero16])
    sp_idx = jnp.where(lane == 0, 0, jnp.where(lane == 1, 2, tag_end))
    sp_val = jnp.where(lane == 0, cls_vec, sep_vec)
    plsc.store_scatter(wsrc_v, [sp_idx], sp_val, mask=lane < 3)

    bufs = (wbuf0_v, wbuf1_v, wbuf2_v)
    gsems = (sg0, sg1, sg2)
    wsems = (sw0, sw1, sw2)
    NBUF = 3

    def g_start(j):
        c0 = h * HALF + j * KCH
        return pltpu.async_copy(
            word_hbm.at[wsrc_v.at[pl.ds(c0, KCH)]], bufs[j % NBUF], gsems[j % NBUF])

    def w_start(j):
        c0 = h * HALF + j * KCH
        return pltpu.async_copy(
            bufs[j % NBUF], base_hbm.at[b, pl.ds(c0, KCH)], wsems[j % NBUF])

    gd = {j: g_start(j) for j in range(NBUF)}
    wd = {}
    for j in range(NCH):
        gd[j].wait()
        wd[j] = w_start(j)
        if j + NBUF < NCH:
            wd[j].wait()
            gd[j + NBUF] = g_start(j + NBUF)

    gg = pltpu.async_copy(gnn_hbm.at[tcmp_v.at[pl.ds(h * GHALF, GHALF)]], gbuf_v, sm)
    wd[NCH - 3].wait()

    @pl.when(h == 0)
    def _():
        gt = pltpu.async_copy(
            word_hbm.at[wsrc_v.at[pl.ds(288, KCH)]], wbuf0_v, sg0)
        gt.wait()
        wt = pltpu.async_copy(wbuf0_v, base_hbm.at[b, pl.ds(288, KCH)], sw0)
        wt.wait()

    @pl.when(h == 1)
    def _():
        gt = pltpu.async_copy(
            word_hbm.at[wsrc_v.at[pl.ds(624, 24)]], wbuf0_v.at[pl.ds(0, 24)], sg0)
        gt.wait()
        wt = pltpu.async_copy(
            wbuf0_v.at[pl.ds(0, 24)], base_hbm.at[b, pl.ds(624, 24)], sw0)
        wt.wait()

    wd[NCH - 2].wait()
    wd[NCH - 1].wait()
    bg0 = pltpu.async_copy(
        bert_hbm.at[tcmp_v.at[pl.ds(h * GHALF, 32)]], wbuf0_v.at[pl.ds(0, 32)], sg0)
    bg1 = pltpu.async_copy(
        bert_hbm.at[tcmp_v.at[pl.ds(h * GHALF + 32, 32)]], wbuf1_v.at[pl.ds(0, 32)], sg1)
    bg0.wait()
    bw0 = pltpu.async_copy(
        wbuf0_v.at[pl.ds(0, 32)], bertc_hbm.at[b, pl.ds(h * GHALF, 32)], sw0)
    bg1.wait()
    bw1 = pltpu.async_copy(
        wbuf1_v.at[pl.ds(0, 32)], bertc_hbm.at[b, pl.ds(h * GHALF + 32, 32)], sw1)
    gg.wait()
    gw = pltpu.async_copy(gbuf_v, gnnc_hbm.at[b, pl.ds(h * GHALF, GHALF)], sm)
    bw0.wait()
    bw1.wait()
    gw.wait()

    @pl.when((cid == 0) & (sid == 0))
    def _():
        pltpu.sync_copy(uid_hbm, uidx_v)
        pltpu.async_copy(user_hbm.at[uidx_v], ubuf_v, sm).wait()
        pltpu.sync_copy(ubuf_v, ue_hbm)


@functools.cache
def _make_sc_call():
    return pl.kernel(
        _sc_pack,
        out_type=[
            jax.ShapeDtypeStruct((B, LOUT, H), jnp.float32),
            jax.ShapeDtypeStruct((B, G, H), jnp.float32),
            jax.ShapeDtypeStruct((B, G, GH), jnp.float32),
            jax.ShapeDtypeStruct((B, GH), jnp.float32),
        ],
        mesh=plsc.VectorSubcoreMesh(core_axis_name="c", subcore_axis_name="s"),
        compiler_params=pltpu.CompilerParams(needs_layout_passes=False),
        scratch_types=[
            pltpu.VMEM((T,), jnp.int32),
            pltpu.VMEM((G,), jnp.int32),
            pltpu.VMEM((LPAD,), jnp.int32),
            pltpu.VMEM((G,), jnp.int32),
            pltpu.VMEM((KCH, H), jnp.float32),
            pltpu.VMEM((KCH, H), jnp.float32),
            pltpu.VMEM((KCH, H), jnp.float32),
            pltpu.VMEM((GHALF, GH), jnp.float32),
            pltpu.VMEM((B, GH), jnp.float32),
            pltpu.VMEM((B,), jnp.int32),
            pltpu.SemaphoreType.DMA,
            pltpu.SemaphoreType.DMA,
            pltpu.SemaphoreType.DMA,
            pltpu.SemaphoreType.DMA,
            pltpu.SemaphoreType.DMA,
            pltpu.SemaphoreType.DMA,
            pltpu.SemaphoreType.DMA,
        ],
    )


def _tc_finish(text_ref, tag_ref, base_ref, bertc_ref, gnnc_ref, ue_ref,
               pos_ref, wtag_ref, btag_ref, wuser_ref, buser_ref, type_ref,
               lnw_ref, lnb_ref, out_ref, attn_ref):
    bidx = pl.program_id(0)
    trow = text_ref[0]
    grow = tag_ref[0]
    text_cnt = jnp.sum((trow[:, 1:] > 0).astype(jnp.int32))
    tag_cnt = jnp.sum((grow > 0).astype(jnp.int32))
    text_end = text_cnt + 3
    tag_end = text_end + tag_cnt

    ge = lax.dot_general(gnnc_ref[0], wtag_ref[...], (((1,), (1,)), ((), ())),
                         preferred_element_type=jnp.float32)
    tage = (ge + btag_ref[...]) * bertc_ref[0]
    tage_pad = jnp.concatenate(
        [tage, jnp.zeros((LOUT - G, H), jnp.float32)], axis=0)
    emb = base_ref[0] + pltpu.roll(tage_pad, text_end, 0)

    pos_a = pos_ref[0:LOUT, :]
    prow = pos_ref[pl.ds(text_end, 1), :]
    shift = tag_cnt - 1
    shift = jnp.where(shift < 0, shift + LOUT, shift)
    pos_c = pltpu.roll(pos_a, shift, 0)
    g = lax.broadcasted_iota(jnp.int32, (LOUT, 1), 0)
    emb = emb + jnp.where(g < text_end, pos_a,
                          jnp.where(g < tag_end, prow, pos_c))

    ue_row = ue_ref[pl.ds(bidx, 1), :]
    uevec = lax.dot_general(ue_row, wuser_ref[...], (((1,), (1,)), ((), ())),
                            preferred_element_type=jnp.float32) + buser_ref[...]
    emb = emb + jnp.where(g == 1, 1.0, 0.0) * uevec

    t1 = ((g >= 3) & (g < text_end)).astype(jnp.float32)
    t2 = ((g >= text_end) & (g <= tag_end)).astype(jnp.float32)
    typ = type_ref[...]
    emb = (emb + typ[0:1] + t1 * (typ[1:2] - typ[0:1])
           + t2 * (typ[2:3] - typ[0:1]))

    mu = jnp.mean(emb, axis=-1, keepdims=True)
    var = jnp.mean((emb - mu) ** 2, axis=-1, keepdims=True)
    nrm = (emb - mu) * lax.rsqrt(var + 1e-12) * lnw_ref[...] + lnb_ref[...]
    out_ref[0] = nrm[:L]
    attn_ref[0] = (lax.broadcasted_iota(jnp.int32, (1, L), 1)
                   <= tag_end).astype(jnp.int32)


def kernel(user_ids, text_ids, tag_ids, user_table, word_table, bert_tag_table,
           gnn_tag_table, pos_table, type_table, W_user, b_user, W_tag, b_tag,
           ln_w, ln_b):
    text_ids = text_ids.astype(jnp.int32)
    tag_ids = tag_ids.astype(jnp.int32)
    uid_flat = user_ids.reshape(B).astype(jnp.int32)

    base, bert_c, gnn_c, ue = _make_sc_call()(
        text_ids, tag_ids, uid_flat, word_table, bert_tag_table,
        gnn_tag_table, user_table)

    text3 = text_ids.reshape(B, 1, T)
    tag3 = tag_ids.reshape(B, 1, G)
    out, attn = pl.pallas_call(
        _tc_finish,
        grid=(B,),
        in_specs=[
            pl.BlockSpec((1, 1, T), lambda i: (i, 0, 0)),
            pl.BlockSpec((1, 1, G), lambda i: (i, 0, 0)),
            pl.BlockSpec((1, LOUT, H), lambda i: (i, 0, 0)),
            pl.BlockSpec((1, G, H), lambda i: (i, 0, 0)),
            pl.BlockSpec((1, G, GH), lambda i: (i, 0, 0)),
            pl.BlockSpec((B, GH), lambda i: (0, 0)),
            pl.BlockSpec((1024, H), lambda i: (0, 0)),
            pl.BlockSpec((H, GH), lambda i: (0, 0)),
            pl.BlockSpec((1, H), lambda i: (0, 0)),
            pl.BlockSpec((H, GH), lambda i: (0, 0)),
            pl.BlockSpec((1, H), lambda i: (0, 0)),
            pl.BlockSpec((3, H), lambda i: (0, 0)),
            pl.BlockSpec((1, H), lambda i: (0, 0)),
            pl.BlockSpec((1, H), lambda i: (0, 0)),
        ],
        out_specs=[
            pl.BlockSpec((1, L, H), lambda i: (i, 0, 0)),
            pl.BlockSpec((1, 1, L), lambda i: (i, 0, 0)),
        ],
        out_shape=[
            jax.ShapeDtypeStruct((B, L, H), jnp.float32),
            jax.ShapeDtypeStruct((B, 1, L), jnp.int32),
        ],
    )(text3, tag3, base, bert_c, gnn_c, ue, pos_table, W_tag,
      b_tag.reshape(1, H), W_user, b_user.reshape(1, H), type_table,
      ln_w.reshape(1, H), ln_b.reshape(1, H))
    return out, attn.reshape(B, L)

# --- scband reference (transcript-rebuilt; emitter-appended) ---
"""Pipeline reference for scband-pacbert-model-39556648796470 (READ-ONLY COPY).

The authoritative reference and input builder live on the scoring server;
editing this copy changes nothing except your own understanding.
"""

import jax, jax.numpy as jnp
import numpy as np

B, T, G = 16, 512, 128
H, GH = 768, 128
VOCAB, TAG, USER = 30522, 30522, 100000
MAXPOS, TYPES = 1024, 3


def _indices(text_ids, tag_ids):
    Bn, Tn = text_ids.shape
    Gn = tag_ids.shape[1]
    text_mask = (text_ids > 0)[:, 1:]
    tag_mask = tag_ids > 0
    text_cnt = text_mask.sum(1)
    tag_cnt = tag_mask.sum(1)
    sep_idx = text_cnt - 1
    text_end = 3 + text_cnt
    tag_end = text_end + tag_cnt
    L = Tn + Gn + 3
    grid = jnp.broadcast_to(jnp.arange(L), (Bn, L))
    text_slot = (grid >= 3) & (grid < text_end[:, None])
    tag_slot = (grid >= text_end[:, None]) & (grid < tag_end[:, None])
    token_type = jnp.zeros((Bn, L), jnp.int32)
    token_type = jnp.where(text_slot, 1, token_type)
    token_type = jnp.where((grid >= text_end[:, None]) & (grid <= tag_end[:, None]), 2, token_type)
    position_ids = grid
    position_ids = jnp.where(tag_slot, text_end[:, None], position_ids)
    position_ids = jnp.where(grid >= tag_end[:, None], grid - tag_cnt[:, None] + 1, position_ids)
    attention_mask = (grid <= tag_end[:, None]).astype(jnp.int32)
    text_dest = jnp.where(text_mask, 3 + jnp.cumsum(text_mask, axis=1) - 1, L)
    tag_dest = jnp.where(tag_mask, text_end[:, None] + jnp.cumsum(tag_mask, axis=1) - 1, L)
    return dict(sep_idx=sep_idx, tag_end=tag_end, L=L, text_dest=text_dest, tag_dest=tag_dest, token_type=token_type, position_ids=position_ids, attention_mask=attention_mask)


def setup_inputs(seed: int = 0):
    key = jax.random.key(seed)
    ks = jax.random.split(key, 12)
    std = 0.02
    user_ids = jax.random.randint(ks[0], (B, 1), 0, USER)
    text_ids = jax.random.randint(ks[1], (B, T), 0, VOCAB)
    tag_ids = jax.random.randint(ks[2], (B, G), 0, TAG)
    user_table = jax.random.normal(ks[3], (USER, GH), jnp.float32) * std
    word_table = (jax.random.normal(ks[4], (VOCAB, H), jnp.float32) * std).at[0].set(0.0)
    bert_tag_table = (jax.random.normal(ks[5], (TAG, H), jnp.float32) * std).at[0].set(0.0)
    gnn_tag_table = (jax.random.normal(ks[6], (TAG, GH), jnp.float32) * std).at[0].set(0.0)
    pos_table = jax.random.normal(ks[7], (MAXPOS, H), jnp.float32) * std
    type_table = jax.random.normal(ks[8], (TYPES, H), jnp.float32) * std
    W_user = jax.random.normal(ks[9], (H, GH), jnp.float32) * std
    b_user = jnp.zeros((H,), jnp.float32)
    W_tag = jax.random.normal(ks[10], (H, GH), jnp.float32) * std
    b_tag = jnp.zeros((H,), jnp.float32)
    ln_w = jnp.ones((H,), jnp.float32)
    ln_b = jnp.zeros((H,), jnp.float32)
    return {"user_ids": user_ids, "text_ids": text_ids, "tag_ids": tag_ids, "user_table": user_table, "word_table": word_table, "bert_tag_table": bert_tag_table, "gnn_tag_table": gnn_tag_table, "pos_table": pos_table, "type_table": type_table, "W_user": W_user, "b_user": b_user, "W_tag": W_tag, "b_tag": b_tag, "ln_w": ln_w, "ln_b": ln_b}


def reference(user_ids, text_ids, tag_ids, user_table, word_table, bert_tag_table, gnn_tag_table, pos_table, type_table, W_user, b_user, W_tag, b_tag, ln_w, ln_b):
    idx = _indices(text_ids, tag_ids)
    Bn = int(text_ids.shape[0])
    ue = jnp.take(user_table, user_ids, axis=0) @ W_user.T + b_user
    te = jnp.take(word_table, text_ids, axis=0)
    ge = jnp.take(gnn_tag_table, tag_ids, axis=0) @ W_tag.T + b_tag
    be = jnp.take(bert_tag_table, tag_ids, axis=0)
    tage = ge * be
    cls_e = te[:, :1]
    body = te[:, 1:]
    sep_e = body[jnp.arange(Bn), jnp.asarray(idx["sep_idx"])]
    L = idx["L"]
    emb = jnp.zeros((Bn, L, H), jnp.float32)
    user_cat = jnp.concatenate([cls_e, ue, sep_e[:, None, :]], axis=1)
    emb = emb.at[:, :user_cat.shape[1]].set(user_cat)
    rows = jnp.arange(Bn)[:, None]
    emb = emb.at[rows, idx["text_dest"]].set(body, mode="drop")
    emb = emb.at[rows, idx["tag_dest"]].set(tage, mode="drop")
    emb = emb.at[jnp.arange(Bn), jnp.asarray(idx["tag_end"])].set(sep_e)
    emb = emb + jnp.take(type_table, jnp.asarray(idx["token_type"]), axis=0) + jnp.take(pos_table, jnp.asarray(idx["position_ids"]), axis=0)
    mu = emb.mean(-1, keepdims=True)
    var = ((emb - mu) ** 2).mean(-1, keepdims=True)
    emb = (emb - mu) / jnp.sqrt(var + 1e-12) * ln_w + ln_b
    return emb, jnp.asarray(idx["attention_mask"])

if __name__ == "__main__":
    import jax
    _d = setup_inputs()
    print(jax.jit(kernel)(*tuple(_d.values())))

</pallas_src>

<mosaic_0001>
#map = affine_map<(d0, d1) -> (0, 0)>
#map1 = affine_map<(d0, d1) -> (0)>
#map2 = affine_map<(d0, d1) -> (0, 0, 0)>
module attributes {stable_mosaic.version = 14 : i64} {
  func.func @_sc_pack(%arg0: i32, %arg1: i32, %arg2: memref<16x512xi32, #tpu.memory_space<hbm>>, %arg3: memref<16x128xi32, #tpu.memory_space<hbm>>, %arg4: memref<16xi32, #tpu.memory_space<hbm>>, %arg5: memref<30522x768xf32, #tpu.memory_space<hbm>>, %arg6: memref<30522x768xf32, #tpu.memory_space<hbm>>, %arg7: memref<30522x128xf32, #tpu.memory_space<hbm>>, %arg8: memref<100000x128xf32, #tpu.memory_space<hbm>>, %arg9: memref<16x648x768xf32, #tpu.memory_space<hbm>>, %arg10: memref<16x128x768xf32, #tpu.memory_space<hbm>>, %arg11: memref<16x128x128xf32, #tpu.memory_space<hbm>>, %arg12: memref<16x128xf32, #tpu.memory_space<hbm>>, %arg13: memref<512xi32, #tpu.memory_space<vmem>>, %arg14: memref<128xi32, #tpu.memory_space<vmem>>, %arg15: memref<672xi32, #tpu.memory_space<vmem>>, %arg16: memref<128xi32, #tpu.memory_space<vmem>>, %arg17: memref<48x768xf32, #tpu.memory_space<vmem>>, %arg18: memref<48x768xf32, #tpu.memory_space<vmem>>, %arg19: memref<48x768xf32, #tpu.memory_space<vmem>>, %arg20: memref<64x128xf32, #tpu.memory_space<vmem>>, %arg21: memref<16x128xf32, #tpu.memory_space<vmem>>, %arg22: memref<16xi32, #tpu.memory_space<vmem>>, %arg23: memref<!tpu.dma_semaphore, #tpu.memory_space<semaphore_mem>>, %arg24: memref<!tpu.dma_semaphore, #tpu.memory_space<semaphore_mem>>, %arg25: memref<!tpu.dma_semaphore, #tpu.memory_space<semaphore_mem>>, %arg26: memref<!tpu.dma_semaphore, #tpu.memory_space<semaphore_mem>>, %arg27: memref<!tpu.dma_semaphore, #tpu.memory_space<semaphore_mem>>, %arg28: memref<!tpu.dma_semaphore, #tpu.memory_space<semaphore_mem>>, %arg29: memref<!tpu.dma_semaphore, #tpu.memory_space<semaphore_mem>>) attributes {dimension_semantics = [#tpu.dimension_semantics<core_parallel>, #tpu.dimension_semantics<subcore_parallel>], iteration_bounds = array<i64: 2, 16>, scalar_prefetch = 0 : i64, scratch_operands = 17 : i64, tpu.core_type = #tpu.core_type<sc_vector_subcore>, window_params = [{transform_indices = #map}, {transform_indices = #map}, {transform_indices = #map1}, {transform_indices = #map}, {transform_indices = #map}, {transform_indices = #map}, {transform_indices = #map}, {transform_indices = #map2}, {transform_indices = #map2}, {transform_indices = #map2}, {transform_indices = #map}]} {
    %mul3A = arith.constant 8 : i32
    %mul3A_0 = arith.muli %arg0, %mul3A : i32
    %jit3A = arith.constant 2 : i32
    %div3A = arith.divsi %arg1, %jit3A : i32
    %sign3A = arith.constant 0 : i32
    %sign3A_1 = arith.cmpi sgt, %arg1, %sign3A : i32
    %sign3A_2 = arith.extui %sign3A_1 : i1 to i32
    %sign3A_3 = arith.constant 0 : i32
    %sign3A_4 = arith.cmpi slt, %arg1, %sign3A_3 : i32
    %sign3A_5 = arith.extui %sign3A_4 : i1 to i32
    %sign3A_6 = arith.subi %sign3A_2, %sign3A_5 : i32
    %sign3A_7 = arith.constant 0 : i32
    %sign3A_8 = arith.cmpi sgt, %jit3A, %sign3A_7 : i32
    %sign3A_9 = arith.extui %sign3A_8 : i1 to i32
    %sign3A_10 = arith.constant 0 : i32
    %sign3A_11 = arith.cmpi slt, %jit3A, %sign3A_10 : i32
    %sign3A_12 = arith.extui %sign3A_11 : i1 to i32
    %sign3A_13 = arith.subi %sign3A_9, %sign3A_12 : i32
    %ne3A = arith.cmpi ne, %sign3A_6, %sign3A_13 : i32
    %rem3A = arith.remsi %arg1, %jit3A : i32
    %ne3A_14 = arith.constant 0 : i32
    %ne3A_15 = arith.cmpi ne, %rem3A, %ne3A_14 : i32
    %and3A = arith.andi %ne3A, %ne3A_15 : i1
    %sub3A = arith.constant 1 : i32
    %sub3A_16 = arith.subi %div3A, %sub3A : i32
    %select_n3A = arith.select %and3A, %sub3A_16, %div3A : i32
    %add3A = arith.addi %mul3A_0, %select_n3A : i32
    %jit3A_17 = arith.constant 2 : i32
    %eq3A = arith.constant 0 : i32
    %eq3A_18 = arith.cmpi eq, %jit3A_17, %eq3A : i32
    %jit3A_19 = arith.constant 1 : i32
    %select_n3A_20 = arith.select %eq3A_18, %jit3A_19, %jit3A_17 : i32
    %rem3A_21 = arith.remsi %arg1, %select_n3A_20 : i32
    %ne3A_22 = arith.constant 0 : i32
    %ne3A_23 = arith.cmpi ne, %rem3A_21, %ne3A_22 : i32
    %lt3A = arith.constant 0 : i32
    %lt3A_24 = arith.cmpi slt, %rem3A_21, %lt3A : i32
    %lt3A_25 = arith.constant 0 : i32
    %lt3A_26 = arith.cmpi slt, %select_n3A_20, %lt3A_25 : i32
    %ne3A_27 = arith.xori %lt3A_24, %lt3A_26 : i1
    %and3A_28 = arith.andi %ne3A_27, %ne3A_23 : i1
    %add3A_29 = arith.addi %rem3A_21, %select_n3A_20 : i32
    %select_n3A_30 = arith.select %and3A_28, %add3A_29, %rem3A_21 : i32
    %iota3A = tpu.iota {dimensions = array<i32: 0>} : vector<16xi32>
    %broadcast_in_dim3A = arith.constant 0 : i32
    %broadcast_in_dim3A_31 = vector.broadcast %broadcast_in_dim3A : i32 to vector<16xi32>
    "tpu.region"() ({
      %run_scoped3A = tpu.sem_alloc : memref<!tpu.dma_semaphore, #tpu.memory_space<semaphore_mem>>
      %dma_start3A_379 = arith.constant 0 : i32
      %dma_start3A_380 = tpu.memref_slice %arg2[%add3A, %dma_start3A_379] : memref<16x512xi32, #tpu.memory_space<hbm>> -> memref<1x512xi32, #tpu.memory_space<hbm>>
      %dma_start3A_381 = tpu.memref_squeeze %dma_start3A_380 : memref<1x512xi32, #tpu.memory_space<hbm>> -> memref<512xi32, #tpu.memory_space<hbm>>
      %dma_start3A_382 = arith.constant 0 : i32
      %dma_start3A_383 = tpu.memref_slice %arg2[%add3A, %dma_start3A_382] : memref<16x512xi32, #tpu.memory_space<hbm>> -> memref<1x512xi32, #tpu.memory_space<hbm>>
      %dma_start3A_384 = tpu.memref_squeeze %dma_start3A_383 : memref<1x512xi32, #tpu.memory_space<hbm>> -> memref<512xi32, #tpu.memory_space<hbm>>
      tpu.enqueue_dma source(%dma_start3A_384 : memref<512xi32, #tpu.memory_space<hbm>>) target(%arg13 : memref<512xi32, #tpu.memory_space<vmem>>) target_semaphore(%run_scoped3A : memref<!tpu.dma_semaphore, #tpu.memory_space<semaphore_mem>>)
      %dma_wait3A_385 = arith.constant 0 : i32
      %dma_wait3A_386 = tpu.memref_slice %arg2[%add3A, %dma_wait3A_385] : memref<16x512xi32, #tpu.memory_space<hbm>> -> memref<1x512xi32, #tpu.memory_space<hbm>>
      %dma_wait3A_387 = tpu.memref_squeeze %dma_wait3A_386 : memref<1x512xi32, #tpu.memory_space<hbm>> -> memref<512xi32, #tpu.memory_space<hbm>>
      %dma_wait3A_388 = arith.constant 0 : i32
      %dma_wait3A_389 = tpu.memref_slice %arg2[%add3A, %dma_wait3A_388] : memref<16x512xi32, #tpu.memory_space<hbm>> -> memref<1x512xi32, #tpu.memory_space<hbm>>
      %dma_wait3A_390 = tpu.memref_squeeze %dma_wait3A_389 : memref<1x512xi32, #tpu.memory_space<hbm>> -> memref<512xi32, #tpu.memory_space<hbm>>
      tpu.wait_dma2 semaphore(%run_scoped3A : memref<!tpu.dma_semaphore, #tpu.memory_space<semaphore_mem>>) src(%dma_wait3A_390 : memref<512xi32, #tpu.memory_space<hbm>>) dst(%arg13 : memref<512xi32, #tpu.memory_space<vmem>>)
      tpu.yield
    }) : () -> ()
    "tpu.region"() ({
      %run_scoped3A = tpu.sem_alloc : memref<!tpu.dma_semaphore, #tpu.memory_space<semaphore_mem>>
      %dma_start3A_379 = arith.constant 0 : i32
      %dma_start3A_380 = tpu.memref_slice %arg3[%add3A, %dma_start3A_379] : memref<16x128xi32, #tpu.memory_space<hbm>> -> memref<1x128xi32, #tpu.memory_space<hbm>>
      %dma_start3A_381 = tpu.memref_squeeze %dma_start3A_380 : memref<1x128xi32, #tpu.memory_space<hbm>> -> memref<128xi32, #tpu.memory_space<hbm>>
      %dma_start3A_382 = arith.constant 0 : i32
      %dma_start3A_383 = tpu.memref_slice %arg3[%add3A, %dma_start3A_382] : memref<16x128xi32, #tpu.memory_space<hbm>> -> memref<1x128xi32, #tpu.memory_space<hbm>>
      %dma_start3A_384 = tpu.memref_squeeze %dma_start3A_383 : memref<1x128xi32, #tpu.memory_space<hbm>> -> memref<128xi32, #tpu.memory_space<hbm>>
      tpu.enqueue_dma source(%dma_start3A_384 : memref<128xi32, #tpu.memory_space<hbm>>) target(%arg14 : memref<128xi32, #tpu.memory_space<vmem>>) target_semaphore(%run_scoped3A : memref<!tpu.dma_semaphore, #tpu.memory_space<semaphore_mem>>)
      %dma_wait3A_385 = arith.constant 0 : i32
      %dma_wait3A_386 = tpu.memref_slice %arg3[%add3A, %dma_wait3A_385] : memref<16x128xi32, #tpu.memory_space<hbm>> -> memref<1x128xi32, #tpu.memory_space<hbm>>
      %dma_wait3A_387 = tpu.memref_squeeze %dma_wait3A_386 : memref<1x128xi32, #tpu.memory_space<hbm>> -> memref<128xi32, #tpu.memory_space<hbm>>
      %dma_wait3A_388 = arith.constant 0 : i32
      %dma_wait3A_389 = tpu.memref_slice %arg3[%add3A, %dma_wait3A_388] : memref<16x128xi32, #tpu.memory_space<hbm>> -> memref<1x128xi32, #tpu.memory_space<hbm>>
      %dma_wait3A_390 = tpu.memref_squeeze %dma_wait3A_389 : memref<1x128xi32, #tpu.memory_space<hbm>> -> memref<128xi32, #tpu.memory_space<hbm>>
      tpu.wait_dma2 semaphore(%run_scoped3A : memref<!tpu.dma_semaphore, #tpu.memory_space<semaphore_mem>>) src(%dma_wait3A_390 : memref<128xi32, #tpu.memory_space<hbm>>) dst(%arg14 : memref<128xi32, #tpu.memory_space<vmem>>)
      tpu.yield
    }) : () -> ()
    %scan3A = arith.constant 0 : i32
    %scan3A_32 = arith.constant 0 : i32
    %scan3A_33 = arith.constant 42 : i32
    %scan3A_34 = arith.addi %scan3A_32, %scan3A_33 : i32
    %scan3A_35 = arith.constant 1 : i32
    scf.for %scan3A_379 = %scan3A_32 to %scan3A_34 step %scan3A_35  : i32 {
      %mul3A_380 = arith.constant 16 : i32
      %mul3A_381 = arith.muli %scan3A_379, %mul3A_380 : i32
      %swap3A = arith.index_cast %mul3A_381 : i32 to index
      %swap3A_382 = tpu.vector_load %arg15[%swap3A] {strides = array<i32>} : memref<672xi32, #tpu.memory_space<vmem>>, vector<16xi32>,
      tpu.vector_store %arg15[%swap3A], %broadcast_in_dim3A_31 {strides = array<i32>} : memref<672xi32, #tpu.memory_space<vmem>>, vector<16xi32>,
    }
    %scan3A_36 = arith.constant 42 : i32
    %scan3A_37 = arith.constant 0 : i32
    %scan3A_38 = arith.constant 0 : i32
    %scan3A_39 = arith.constant 8 : i32
    %scan3A_40 = arith.addi %scan3A_38, %scan3A_39 : i32
    %scan3A_41 = arith.constant 1 : i32
    scf.for %scan3A_379 = %scan3A_38 to %scan3A_40 step %scan3A_41  : i32 {
      %mul3A_380 = arith.constant 16 : i32
      %mul3A_381 = arith.muli %scan3A_379, %mul3A_380 : i32
      %swap3A = arith.index_cast %mul3A_381 : i32 to index
      %swap3A_382 = tpu.vector_load %arg16[%swap3A] {strides = array<i32>} : memref<128xi32, #tpu.memory_space<vmem>>, vector<16xi32>,
      tpu.vector_store %arg16[%swap3A], %broadcast_in_dim3A_31 {strides = array<i32>} : memref<128xi32, #tpu.memory_space<vmem>>, vector<16xi32>,
    }
    %scan3A_42 = arith.constant 8 : i32
    %scan3A_43 = arith.constant 0 : i32
    %scan3A_44 = arith.constant 0 : i32
    %scan3A_45 = arith.constant 32 : i32
    %scan3A_46 = arith.addi %scan3A_44, %scan3A_45 : i32
    %scan3A_47 = arith.constant 1 : i32
    %scan3A_48 = scf.for %scan3A_379 = %scan3A_44 to %scan3A_46 step %scan3A_47 iter_args(%scan3A_380 = %scan3A_43) -> (i32)  : i32 {
      %mul3A_381 = arith.constant 16 : i32
      %mul3A_382 = arith.muli %scan3A_379, %mul3A_381 : i32
      %get3A = arith.index_cast %mul3A_382 : i32 to index
      %get3A_383 = tpu.vector_load %arg13[%get3A] {strides = array<i32>} : memref<512xi32, #tpu.memory_space<vmem>>, vector<16xi32>,
      %gt3A_384 = arith.constant 0 : i32
      %gt3A_385 = vector.broadcast %gt3A_384 : i32 to vector<16xi32>
      %gt3A_386 = arith.cmpi sgt, %get3A_383, %gt3A_385 : vector<16xi32>
      %mul3A_387 = arith.constant 16 : i32
      %mul3A_388 = arith.muli %scan3A_379, %mul3A_387 : i32
      %add3A_389 = vector.broadcast %mul3A_388 : i32 to vector<16xi32>
      %add3A_390 = arith.addi %iota3A, %add3A_389 : vector<16xi32>
      %gt3A_391 = arith.constant 0 : i32
      %gt3A_392 = vector.broadcast %gt3A_391 : i32 to vector<16xi32>
      %gt3A_393 = arith.cmpi sgt, %add3A_390, %gt3A_392 : vector<16xi32>
      %and3A_394 = arith.andi %gt3A_386, %gt3A_393 : vector<16xi1>
      %convert_element_type3A_395 = arith.extui %and3A_394 : vector<16xi1> to vector<16xi32>
      %broadcast_in_dim3A_396 = arith.constant true
      %broadcast_in_dim3A_397 = vector.broadcast %broadcast_in_dim3A_396 : i1 to vector<16xi1>
      %masked_cumsum3A = tpu.scan <sum>, %convert_element_type3A_395 masked %broadcast_in_dim3A_397 : vector<16xi32>, vector<16xi1> -> vector<16xi32>
      %add3A_398 = vector.broadcast %scan3A_380 : i32 to vector<16xi32>
      %add3A_399 = arith.addi %masked_cumsum3A, %add3A_398 : vector<16xi32>
      %add3A_400 = arith.constant 2 : i32
      %add3A_401 = vector.broadcast %add3A_400 : i32 to vector<16xi32>
      %add3A_402 = arith.addi %add3A_399, %add3A_401 : vector<16xi32>
      tpu.vector_store_idx %arg15[%add3A_402], %get3A_383 masked %and3A_394 : memref<672xi32, #tpu.memory_space<vmem>>[vector<16xi32>], vector<16xi32>, vector<16xi1>
      %reduce_sum3A = arith.constant true
      %reduce_sum3A_403 = vector.broadcast %reduce_sum3A : i1 to vector<16xi1>
      %reduce_sum3A_404 = tpu.scan <sum>, %convert_element_type3A_395 masked %reduce_sum3A_403 : vector<16xi32>, vector<16xi1> -> vector<16xi32>
      %reduce_sum3A_405 = vector.extract %reduce_sum3A_404[15] : i32 from vector<16xi32>
      %add3A_406 = arith.addi %scan3A_380, %reduce_sum3A_405 : i32
      scf.yield %add3A_406 : i32
    }
    %scan3A_49 = arith.constant 32 : i32
    %add3A_50 = arith.constant 3 : i32
    %add3A_51 = arith.addi %scan3A_48, %add3A_50 : i32
    %scan3A_52 = arith.constant 0 : i32
    %scan3A_53 = arith.constant 0 : i32
    %scan3A_54 = arith.constant 8 : i32
    %scan3A_55 = arith.addi %scan3A_53, %scan3A_54 : i32
    %scan3A_56 = arith.constant 1 : i32
    %scan3A_57 = scf.for %scan3A_379 = %scan3A_53 to %scan3A_55 step %scan3A_56 iter_args(%scan3A_380 = %scan3A_52) -> (i32)  : i32 {
      %mul3A_381 = arith.constant 16 : i32
      %mul3A_382 = arith.muli %scan3A_379, %mul3A_381 : i32
      %get3A = arith.index_cast %mul3A_382 : i32 to index
      %get3A_383 = tpu.vector_load %arg14[%get3A] {strides = array<i32>} : memref<128xi32, #tpu.memory_space<vmem>>, vector<16xi32>,
      %gt3A_384 = arith.constant 0 : i32
      %gt3A_385 = vector.broadcast %gt3A_384 : i32 to vector<16xi32>
      %gt3A_386 = arith.cmpi sgt, %get3A_383, %gt3A_385 : vector<16xi32>
      %convert_element_type3A_387 = arith.extui %gt3A_386 : vector<16xi1> to vector<16xi32>
      %broadcast_in_dim3A_388 = arith.constant true
      %broadcast_in_dim3A_389 = vector.broadcast %broadcast_in_dim3A_388 : i1 to vector<16xi1>
      %masked_cumsum3A = tpu.scan <sum>, %convert_element_type3A_387 masked %broadcast_in_dim3A_389 : vector<16xi32>, vector<16xi1> -> vector<16xi32>
      %add3A_390 = vector.broadcast %scan3A_380 : i32 to vector<16xi32>
      %add3A_391 = arith.addi %masked_cumsum3A, %add3A_390 : vector<16xi32>
      %sub3A_392 = arith.constant 1 : i32
      %sub3A_393 = vector.broadcast %sub3A_392 : i32 to vector<16xi32>
      %sub3A_394 = arith.subi %add3A_391, %sub3A_393 : vector<16xi32>
      tpu.vector_store_idx %arg16[%sub3A_394], %get3A_383 masked %gt3A_386 : memref<128xi32, #tpu.memory_space<vmem>>[vector<16xi32>], vector<16xi32>, vector<16xi1>
      %reduce_sum3A = arith.constant true
      %reduce_sum3A_395 = vector.broadcast %reduce_sum3A : i1 to vector<16xi1>
      %reduce_sum3A_396 = tpu.scan <sum>, %convert_element_type3A_387 masked %reduce_sum3A_395 : vector<16xi32>, vector<16xi1> -> vector<16xi32>
      %reduce_sum3A_397 = vector.extract %reduce_sum3A_396[15] : i32 from vector<16xi32>
      %add3A_398 = arith.addi %scan3A_380, %reduce_sum3A_397 : i32
      scf.yield %add3A_398 : i32
    }
    %scan3A_58 = arith.constant 8 : i32
    %add3A_59 = arith.addi %add3A_51, %scan3A_57 : i32
    %gt3A = arith.constant 0 : i32
    %gt3A_60 = arith.cmpi sgt, %scan3A_48, %gt3A : i32
    %jit3A_61 = arith.constant 511 : i32
    %select_n3A_62 = arith.select %gt3A_60, %scan3A_48, %jit3A_61 : i32
    %broadcast_in_dim3A_63 = vector.broadcast %select_n3A_62 : i32 to vector<16xi32>
    %gather3A = tpu.vector_load_idx %arg13[%broadcast_in_dim3A_63] : memref<512xi32, #tpu.memory_space<vmem>>[vector<16xi32>], vector<16xi32>,
    %gather3A_64 = tpu.vector_load_idx %arg13[%broadcast_in_dim3A_31] : memref<512xi32, #tpu.memory_space<vmem>>[vector<16xi32>], vector<16xi32>,
    %eq3A_65 = arith.constant 0 : i32
    %eq3A_66 = vector.broadcast %eq3A_65 : i32 to vector<16xi32>
    %eq3A_67 = arith.cmpi eq, %iota3A, %eq3A_66 : vector<16xi32>
    %eq3A_68 = arith.constant 1 : i32
    %eq3A_69 = vector.broadcast %eq3A_68 : i32 to vector<16xi32>
    %eq3A_70 = arith.cmpi eq, %iota3A, %eq3A_69 : vector<16xi32>
    %jit3A_71 = arith.constant 2 : i32
    %broadcast_in_dim3A_72 = vector.broadcast %jit3A_71 : i32 to vector<16xi32>
    %broadcast_in_dim3A_73 = vector.broadcast %add3A_59 : i32 to vector<16xi32>
    %select_n3A_74 = arith.select %eq3A_70, %broadcast_in_dim3A_72, %broadcast_in_dim3A_73 : vector<16xi1>, vector<16xi32>
    %jit3A_75 = arith.constant 0 : i32
    %broadcast_in_dim3A_76 = vector.broadcast %jit3A_75 : i32 to vector<16xi32>
    %select_n3A_77 = arith.select %eq3A_67, %broadcast_in_dim3A_76, %select_n3A_74 : vector<16xi1>, vector<16xi32>
    %eq3A_78 = arith.constant 0 : i32
    %eq3A_79 = vector.broadcast %eq3A_78 : i32 to vector<16xi32>
    %eq3A_80 = arith.cmpi eq, %iota3A, %eq3A_79 : vector<16xi32>
    %select_n3A_81 = arith.select %eq3A_80, %gather3A_64, %gather3A : vector<16xi1>, vector<16xi32>
    %lt3A_82 = arith.constant 3 : i32
    %lt3A_83 = vector.broadcast %lt3A_82 : i32 to vector<16xi32>
    %lt3A_84 = arith.cmpi slt, %iota3A, %lt3A_83 : vector<16xi32>
    tpu.vector_store_idx %arg15[%select_n3A_77], %select_n3A_81 masked %lt3A_84 : memref<672xi32, #tpu.memory_space<vmem>>[vector<16xi32>], vector<16xi32>, vector<16xi1>
    %mul3A_85 = arith.constant 336 : i32
    %mul3A_86 = arith.muli %select_n3A_30, %mul3A_85 : i32
    %add3A_87 = arith.constant 0 : i32
    %add3A_88 = arith.addi %mul3A_86, %add3A_87 : i32
    %dma_start3A = tpu.memref_slice %arg15[%add3A_88] : memref<672xi32, #tpu.memory_space<vmem>> -> memref<48xi32, #tpu.memory_space<vmem>>
    %dma_start3A_89 = arith.constant 0 : i32
    %dma_start3A_90 = arith.constant 0 : i32
    %dma_start3A_91 = tpu.memref_slice %arg5[%dma_start3A_89, %dma_start3A_90] : memref<30522x768xf32, #tpu.memory_space<hbm>> -> memref<30522x768xf32, #tpu.memory_space<hbm>>
    tpu.enqueue_indirect_dma source(%dma_start3A_91 : memref<30522x768xf32, #tpu.memory_space<hbm>>) target(%arg17 : memref<48x768xf32, #tpu.memory_space<vmem>>) offsets(%dma_start3A : memref<48xi32, #tpu.memory_space<vmem>>) semaphore(%arg23 : memref<!tpu.dma_semaphore, #tpu.memory_space<semaphore_mem>>)
    %mul3A_92 = arith.constant 336 : i32
    %mul3A_93 = arith.muli %select_n3A_30, %mul3A_92 : i32
    %add3A_94 = arith.constant 48 : i32
    %add3A_95 = arith.addi %mul3A_93, %add3A_94 : i32
    %dma_start3A_96 = tpu.memref_slice %arg15[%add3A_95] : memref<672xi32, #tpu.memory_space<vmem>> -> memref<48xi32, #tpu.memory_space<vmem>>
    %dma_start3A_97 = arith.constant 0 : i32
    %dma_start3A_98 = arith.constant 0 : i32
    %dma_start3A_99 = tpu.memref_slice %arg5[%dma_start3A_97, %dma_start3A_98] : memref<30522x768xf32, #tpu.memory_space<hbm>> -> memref<30522x768xf32, #tpu.memory_space<hbm>>
    tpu.enqueue_indirect_dma source(%dma_start3A_99 : memref<30522x768xf32, #tpu.memory_space<hbm>>) target(%arg18 : memref<48x768xf32, #tpu.memory_space<vmem>>) offsets(%dma_start3A_96 : memref<48xi32, #tpu.memory_space<vmem>>) semaphore(%arg24 : memref<!tpu.dma_semaphore, #tpu.memory_space<semaphore_mem>>)
    %mul3A_100 = arith.constant 336 : i32
    %mul3A_101 = arith.muli %select_n3A_30, %mul3A_100 : i32
    %add3A_102 = arith.constant 96 : i32
    %add3A_103 = arith.addi %mul3A_101, %add3A_102 : i32
    %dma_start3A_104 = tpu.memref_slice %arg15[%add3A_103] : memref<672xi32, #tpu.memory_space<vmem>> -> memref<48xi32, #tpu.memory_space<vmem>>
    %dma_start3A_105 = arith.constant 0 : i32
    %dma_start3A_106 = arith.constant 0 : i32
    %dma_start3A_107 = tpu.memref_slice %arg5[%dma_start3A_105, %dma_start3A_106] : memref<30522x768xf32, #tpu.memory_space<hbm>> -> memref<30522x768xf32, #tpu.memory_space<hbm>>
    tpu.enqueue_indirect_dma source(%dma_start3A_107 : memref<30522x768xf32, #tpu.memory_space<hbm>>) target(%arg19 : memref<48x768xf32, #tpu.memory_space<vmem>>) offsets(%dma_start3A_104 : memref<48xi32, #tpu.memory_space<vmem>>) semaphore(%arg25 : memref<!tpu.dma_semaphore, #tpu.memory_space<semaphore_mem>>)
    %dma_wait3A = tpu.memref_slice %arg15[%add3A_88] : memref<672xi32, #tpu.memory_space<vmem>> -> memref<48xi32, #tpu.memory_space<vmem>>
    %dma_wait3A_108 = arith.constant 0 : i32
    %dma_wait3A_109 = arith.constant 0 : i32
    %dma_wait3A_110 = tpu.memref_slice %arg5[%dma_wait3A_108, %dma_wait3A_109] : memref<30522x768xf32, #tpu.memory_space<hbm>> -> memref<30522x768xf32, #tpu.memory_space<hbm>>
    tpu.wait_indirect_dma semaphore(%arg23 : memref<!tpu.dma_semaphore, #tpu.memory_space<semaphore_mem>>) src(%dma_wait3A_110 : memref<30522x768xf32, #tpu.memory_space<hbm>>) dst(%arg17 : memref<48x768xf32, #tpu.memory_space<vmem>>)
    %mul3A_111 = arith.constant 336 : i32
    %mul3A_112 = arith.muli %select_n3A_30, %mul3A_111 : i32
    %add3A_113 = arith.constant 0 : i32
    %add3A_114 = arith.addi %mul3A_112, %add3A_113 : i32
    %dma_start3A_115 = arith.constant 0 : i32
    %dma_start3A_116 = tpu.memref_slice %arg9[%add3A, %add3A_114, %dma_start3A_115] : memref<16x648x768xf32, #tpu.memory_space<hbm>> -> memref<1x48x768xf32, #tpu.memory_space<hbm>>
    %dma_start3A_117 = tpu.memref_squeeze %dma_start3A_116 : memref<1x48x768xf32, #tpu.memory_space<hbm>> -> memref<48x768xf32, #tpu.memory_space<hbm>>
    %dma_start3A_118 = arith.constant 0 : i32
    %dma_start3A_119 = tpu.memref_slice %arg9[%add3A, %add3A_114, %dma_start3A_118] : memref<16x648x768xf32, #tpu.memory_space<hbm>> -> memref<1x48x768xf32, #tpu.memory_space<hbm>>
    %dma_start3A_120 = tpu.memref_squeeze %dma_start3A_119 : memref<1x48x768xf32, #tpu.memory_space<hbm>> -> memref<48x768xf32, #tpu.memory_space<hbm>>
    tpu.enqueue_dma source(%arg17 : memref<48x768xf32, #tpu.memory_space<vmem>>) target(%dma_start3A_120 : memref<48x768xf32, #tpu.memory_space<hbm>>) target_semaphore(%arg26 : memref<!tpu.dma_semaphore, #tpu.memory_space<semaphore_mem>>)
    %dma_wait3A_121 = arith.constant 0 : i32
    %dma_wait3A_122 = tpu.memref_slice %arg9[%add3A, %add3A_114, %dma_wait3A_121] : memref<16x648x768xf32, #tpu.memory_space<hbm>> -> memref<1x48x768xf32, #tpu.memory_space<hbm>>
    %dma_wait3A_123 = tpu.memref_squeeze %dma_wait3A_122 : memref<1x48x768xf32, #tpu.memory_space<hbm>> -> memref<48x768xf32, #tpu.memory_space<hbm>>
    %dma_wait3A_124 = arith.constant 0 : i32
    %dma_wait3A_125 = tpu.memref_slice %arg9[%add3A, %add3A_114, %dma_wait3A_124] : memref<16x648x768xf32, #tpu.memory_space<hbm>> -> memref<1x48x768xf32, #tpu.memory_space<hbm>>
    %dma_wait3A_126 = tpu.memref_squeeze %dma_wait3A_125 : memref<1x48x768xf32, #tpu.memory_space<hbm>> -> memref<48x768xf32, #tpu.memory_space<hbm>>
    tpu.wait_dma2 semaphore(%arg26 : memref<!tpu.dma_semaphore, #tpu.memory_space<semaphore_mem>>) src(%arg17 : memref<48x768xf32, #tpu.memory_space<vmem>>) dst(%dma_wait3A_126 : memref<48x768xf32, #tpu.memory_space<hbm>>)
    %mul3A_127 = arith.constant 336 : i32
    %mul3A_128 = arith.muli %select_n3A_30, %mul3A_127 : i32
    %add3A_129 = arith.constant 144 : i32
    %add3A_130 = arith.addi %mul3A_128, %add3A_129 : i32
    %dma_start3A_131 = tpu.memref_slice %arg15[%add3A_130] : memref<672xi32, #tpu.memory_space<vmem>> -> memref<48xi32, #tpu.memory_space<vmem>>
    %dma_start3A_132 = arith.constant 0 : i32
    %dma_start3A_133 = arith.constant 0 : i32
    %dma_start3A_134 = tpu.memref_slice %arg5[%dma_start3A_132, %dma_start3A_133] : memref<30522x768xf32, #tpu.memory_space<hbm>> -> memref<30522x768xf32, #tpu.memory_space<hbm>>
    tpu.enqueue_indirect_dma source(%dma_start3A_134 : memref<30522x768xf32, #tpu.memory_space<hbm>>) target(%arg17 : memref<48x768xf32, #tpu.memory_space<vmem>>) offsets(%dma_start3A_131 : memref<48xi32, #tpu.memory_space<vmem>>) semaphore(%arg23 : memref<!tpu.dma_semaphore, #tpu.memory_space<semaphore_mem>>)
    %dma_wait3A_135 = tpu.memref_slice %arg15[%add3A_95] : memref<672xi32, #tpu.memory_space<vmem>> -> memref<48xi32, #tpu.memory_space<vmem>>
    %dma_wait3A_136 = arith.constant 0 : i32
    %dma_wait3A_137 = arith.constant 0 : i32
    %dma_wait3A_138 = tpu.memref_slice %arg5[%dma_wait3A_136, %dma_wait3A_137] : memref<30522x768xf32, #tpu.memory_space<hbm>> -> memref<30522x768xf32, #tpu.memory_space<hbm>>
    tpu.wait_indirect_dma semaphore(%arg24 : memref<!tpu.dma_semaphore, #tpu.memory_space<semaphore_mem>>) src(%dma_wait3A_138 : memref<30522x768xf32, #tpu.memory_space<hbm>>) dst(%arg18 : memref<48x768xf32, #tpu.memory_space<vmem>>)
    %mul3A_139 = arith.constant 336 : i32
    %mul3A_140 = arith.muli %select_n3A_30, %mul3A_139 : i32
    %add3A_141 = arith.constant 48 : i32
    %add3A_142 = arith.addi %mul3A_140, %add3A_141 : i32
    %dma_start3A_143 = arith.constant 0 : i32
    %dma_start3A_144 = tpu.memref_slice %arg9[%add3A, %add3A_142, %dma_start3A_143] : memref<16x648x768xf32, #tpu.memory_space<hbm>> -> memref<1x48x768xf32, #tpu.memory_space<hbm>>
    %dma_start3A_145 = tpu.memref_squeeze %dma_start3A_144 : memref<1x48x768xf32, #tpu.memory_space<hbm>> -> memref<48x768xf32, #tpu.memory_space<hbm>>
    %dma_start3A_146 = arith.constant 0 : i32
    %dma_start3A_147 = tpu.memref_slice %arg9[%add3A, %add3A_142, %dma_start3A_146] : memref<16x648x768xf32, #tpu.memory_space<hbm>> -> memref<1x48x768xf32, #tpu.memory_space<hbm>>
    %dma_start3A_148 = tpu.memref_squeeze %dma_start3A_147 : memref<1x48x768xf32, #tpu.memory_space<hbm>> -> memref<48x768xf32, #tpu.memory_space<hbm>>
    tpu.enqueue_dma source(%arg18 : memref<48x768xf32, #tpu.memory_space<vmem>>) target(%dma_start3A_148 : memref<48x768xf32, #tpu.memory_space<hbm>>) target_semaphore(%arg27 : memref<!tpu.dma_semaphore, #tpu.memory_space<semaphore_mem>>)
    %dma_wait3A_149 = arith.constant 0 : i32
    %dma_wait3A_150 = tpu.memref_slice %arg9[%add3A, %add3A_142, %dma_wait3A_149] : memref<16x648x768xf32, #tpu.memory_space<hbm>> -> memref<1x48x768xf32, #tpu.memory_space<hbm>>
    %dma_wait3A_151 = tpu.memref_squeeze %dma_wait3A_150 : memref<1x48x768xf32, #tpu.memory_space<hbm>> -> memref<48x768xf32, #tpu.memory_space<hbm>>
    %dma_wait3A_152 = arith.constant 0 : i32
    %dma_wait3A_153 = tpu.memref_slice %arg9[%add3A, %add3A_142, %dma_wait3A_152] : memref<16x648x768xf32, #tpu.memory_space<hbm>> -> memref<1x48x768xf32, #tpu.memory_space<hbm>>
    %dma_wait3A_154 = tpu.memref_squeeze %dma_wait3A_153 : memref<1x48x768xf32, #tpu.memory_space<hbm>> -> memref<48x768xf32, #tpu.memory_space<hbm>>
    tpu.wait_dma2 semaphore(%arg27 : memref<!tpu.dma_semaphore, #tpu.memory_space<semaphore_mem>>) src(%arg18 : memref<48x768xf32, #tpu.memory_space<vmem>>) dst(%dma_wait3A_154 : memref<48x768xf32, #tpu.memory_space<hbm>>)
    %mul3A_155 = arith.constant 336 : i32
    %mul3A_156 = arith.muli %select_n3A_30, %mul3A_155 : i32
    %add3A_157 = arith.constant 192 : i32
    %add3A_158 = arith.addi %mul3A_156, %add3A_157 : i32
    %dma_start3A_159 = tpu.memref_slice %arg15[%add3A_158] : memref<672xi32, #tpu.memory_space<vmem>> -> memref<48xi32, #tpu.memory_space<vmem>>
    %dma_start3A_160 = arith.constant 0 : i32
    %dma_start3A_161 = arith.constant 0 : i32
    %dma_start3A_162 = tpu.memref_slice %arg5[%dma_start3A_160, %dma_start3A_161] : memref<30522x768xf32, #tpu.memory_space<hbm>> -> memref<30522x768xf32, #tpu.memory_space<hbm>>
    tpu.enqueue_indirect_dma source(%dma_start3A_162 : memref<30522x768xf32, #tpu.memory_space<hbm>>) target(%arg18 : memref<48x768xf32, #tpu.memory_space<vmem>>) offsets(%dma_start3A_159 : memref<48xi32, #tpu.memory_space<vmem>>) semaphore(%arg24 : memref<!tpu.dma_semaphore, #tpu.memory_space<semaphore_mem>>)
    %dma_wait3A_163 = tpu.memref_slice %arg15[%add3A_103] : memref<672xi32, #tpu.memory_space<vmem>> -> memref<48xi32, #tpu.memory_space<vmem>>
    %dma_wait3A_164 = arith.constant 0 : i32
    %dma_wait3A_165 = arith.constant 0 : i32
    %dma_wait3A_166 = tpu.memref_slice %arg5[%dma_wait3A_164, %dma_wait3A_165] : memref<30522x768xf32, #tpu.memory_space<hbm>> -> memref<30522x768xf32, #tpu.memory_space<hbm>>
    tpu.wait_indirect_dma semaphore(%arg25 : memref<!tpu.dma_semaphore, #tpu.memory_space<semaphore_mem>>) src(%dma_wait3A_166 : memref<30522x768xf32, #tpu.memory_space<hbm>>) dst(%arg19 : memref<48x768xf32, #tpu.memory_space<vmem>>)
    %mul3A_167 = arith.constant 336 : i32
    %mul3A_168 = arith.muli %select_n3A_30, %mul3A_167 : i32
    %add3A_169 = arith.constant 96 : i32
    %add3A_170 = arith.addi %mul3A_168, %add3A_169 : i32
    %dma_start3A_171 = arith.constant 0 : i32
    %dma_start3A_172 = tpu.memref_slice %arg9[%add3A, %add3A_170, %dma_start3A_171] : memref<16x648x768xf32, #tpu.memory_space<hbm>> -> memref<1x48x768xf32, #tpu.memory_space<hbm>>
    %dma_start3A_173 = tpu.memref_squeeze %dma_start3A_172 : memref<1x48x768xf32, #tpu.memory_space<hbm>> -> memref<48x768xf32, #tpu.memory_space<hbm>>
    %dma_start3A_174 = arith.constant 0 : i32
    %dma_start3A_175 = tpu.memref_slice %arg9[%add3A, %add3A_170, %dma_start3A_174] : memref<16x648x768xf32, #tpu.memory_space<hbm>> -> memref<1x48x768xf32, #tpu.memory_space<hbm>>
    %dma_start3A_176 = tpu.memref_squeeze %dma_start3A_175 : memref<1x48x768xf32, #tpu.memory_space<hbm>> -> memref<48x768xf32, #tpu.memory_space<hbm>>
    tpu.enqueue_dma source(%arg19 : memref<48x768xf32, #tpu.memory_space<vmem>>) target(%dma_start3A_176 : memref<48x768xf32, #tpu.memory_space<hbm>>) target_semaphore(%arg28 : memref<!tpu.dma_semaphore, #tpu.memory_space<semaphore_mem>>)
    %dma_wait3A_177 = arith.constant 0 : i32
    %dma_wait3A_178 = tpu.memref_slice %arg9[%add3A, %add3A_170, %dma_wait3A_177] : memref<16x648x768xf32, #tpu.memory_space<hbm>> -> memref<1x48x768xf32, #tpu.memory_space<hbm>>
    %dma_wait3A_179 = tpu.memref_squeeze %dma_wait3A_178 : memref<1x48x768xf32, #tpu.memory_space<hbm>> -> memref<48x768xf32, #tpu.memory_space<hbm>>
    %dma_wait3A_180 = arith.constant 0 : i32
    %dma_wait3A_181 = tpu.memref_slice %arg9[%add3A, %add3A_170, %dma_wait3A_180] : memref<16x648x768xf32, #tpu.memory_space<hbm>> -> memref<1x48x768xf32, #tpu.memory_space<hbm>>
    %dma_wait3A_182 = tpu.memref_squeeze %dma_wait3A_181 : memref<1x48x768xf32, #tpu.memory_space<hbm>> -> memref<48x768xf32, #tpu.memory_space<hbm>>
    tpu.wait_dma2 semaphore(%arg28 : memref<!tpu.dma_semaphore, #tpu.memory_space<semaphore_mem>>) src(%arg19 : memref<48x768xf32, #tpu.memory_space<vmem>>) dst(%dma_wait3A_182 : memref<48x768xf32, #tpu.memory_space<hbm>>)
    %mul3A_183 = arith.constant 336 : i32
    %mul3A_184 = arith.muli %select_n3A_30, %mul3A_183 : i32
    %add3A_185 = arith.constant 240 : i32
    %add3A_186 = arith.addi %mul3A_184, %add3A_185 : i32
    %dma_start3A_187 = tpu.memref_slice %arg15[%add3A_186] : memref<672xi32, #tpu.memory_space<vmem>> -> memref<48xi32, #tpu.memory_space<vmem>>
    %dma_start3A_188 = arith.constant 0 : i32
    %dma_start3A_189 = arith.constant 0 : i32
    %dma_start3A_190 = tpu.memref_slice %arg5[%dma_start3A_188, %dma_start3A_189] : memref<30522x768xf32, #tpu.memory_space<hbm>> -> memref<30522x768xf32, #tpu.memory_space<hbm>>
    tpu.enqueue_indirect_dma source(%dma_start3A_190 : memref<30522x768xf32, #tpu.memory_space<hbm>>) target(%arg19 : memref<48x768xf32, #tpu.memory_space<vmem>>) offsets(%dma_start3A_187 : memref<48xi32, #tpu.memory_space<vmem>>) semaphore(%arg25 : memref<!tpu.dma_semaphore, #tpu.memory_space<semaphore_mem>>)
    %dma_wait3A_191 = tpu.memref_slice %arg15[%add3A_130] : memref<672xi32, #tpu.memory_space<vmem>> -> memref<48xi32, #tpu.memory_space<vmem>>
    %dma_wait3A_192 = arith.constant 0 : i32
    %dma_wait3A_193 = arith.constant 0 : i32
    %dma_wait3A_194 = tpu.memref_slice %arg5[%dma_wait3A_192, %dma_wait3A_193] : memref<30522x768xf32, #tpu.memory_space<hbm>> -> memref<30522x768xf32, #tpu.memory_space<hbm>>
    tpu.wait_indirect_dma semaphore(%arg23 : memref<!tpu.dma_semaphore, #tpu.memory_space<semaphore_mem>>) src(%dma_wait3A_194 : memref<30522x768xf32, #tpu.memory_space<hbm>>) dst(%arg17 : memref<48x768xf32, #tpu.memory_space<vmem>>)
    %mul3A_195 = arith.constant 336 : i32
    %mul3A_196 = arith.muli %select_n3A_30, %mul3A_195 : i32
    %add3A_197 = arith.constant 144 : i32
    %add3A_198 = arith.addi %mul3A_196, %add3A_197 : i32
    %dma_start3A_199 = arith.constant 0 : i32
    %dma_start3A_200 = tpu.memref_slice %arg9[%add3A, %add3A_198, %dma_start3A_199] : memref<16x648x768xf32, #tpu.memory_space<hbm>> -> memref<1x48x768xf32, #tpu.memory_space<hbm>>
    %dma_start3A_201 = tpu.memref_squeeze %dma_start3A_200 : memref<1x48x768xf32, #tpu.memory_space<hbm>> -> memref<48x768xf32, #tpu.memory_space<hbm>>
    %dma_start3A_202 = arith.constant 0 : i32
    %dma_start3A_203 = tpu.memref_slice %arg9[%add3A, %add3A_198, %dma_start3A_202] : memref<16x648x768xf32, #tpu.memory_space<hbm>> -> memref<1x48x768xf32, #tpu.memory_space<hbm>>
    %dma_start3A_204 = tpu.memref_squeeze %dma_start3A_203 : memref<1x48x768xf32, #tpu.memory_space<hbm>> -> memref<48x768xf32, #tpu.memory_space<hbm>>
    tpu.enqueue_dma source(%arg17 : memref<48x768xf32, #tpu.memory_space<vmem>>) target(%dma_start3A_204 : memref<48x768xf32, #tpu.memory_space<hbm>>) target_semaphore(%arg26 : memref<!tpu.dma_semaphore, #tpu.memory_space<semaphore_mem>>)
    %dma_wait3A_205 = tpu.memref_slice %arg15[%add3A_158] : memref<672xi32, #tpu.memory_space<vmem>> -> memref<48xi32, #tpu.memory_space<vmem>>
    %dma_wait3A_206 = arith.constant 0 : i32
    %dma_wait3A_207 = arith.constant 0 : i32
    %dma_wait3A_208 = tpu.memref_slice %arg5[%dma_wait3A_206, %dma_wait3A_207] : memref<30522x768xf32, #tpu.memory_space<hbm>> -> memref<30522x768xf32, #tpu.memory_space<hbm>>
    tpu.wait_indirect_dma semaphore(%arg24 : memref<!tpu.dma_semaphore, #tpu.memory_space<semaphore_mem>>) src(%dma_wait3A_208 : memref<30522x768xf32, #tpu.memory_space<hbm>>) dst(%arg18 : memref<48x768xf32, #tpu.memory_space<vmem>>)
    %mul3A_209 = arith.constant 336 : i32
    %mul3A_210 = arith.muli %select_n3A_30, %mul3A_209 : i32
    %add3A_211 = arith.constant 192 : i32
    %add3A_212 = arith.addi %mul3A_210, %add3A_211 : i32
    %dma_start3A_213 = arith.constant 0 : i32
    %dma_start3A_214 = tpu.memref_slice %arg9[%add3A, %add3A_212, %dma_start3A_213] : memref<16x648x768xf32, #tpu.memory_space<hbm>> -> memref<1x48x768xf32, #tpu.memory_space<hbm>>
    %dma_start3A_215 = tpu.memref_squeeze %dma_start3A_214 : memref<1x48x768xf32, #tpu.memory_space<hbm>> -> memref<48x768xf32, #tpu.memory_space<hbm>>
    %dma_start3A_216 = arith.constant 0 : i32
    %dma_start3A_217 = tpu.memref_slice %arg9[%add3A, %add3A_212, %dma_start3A_216] : memref<16x648x768xf32, #tpu.memory_space<hbm>> -> memref<1x48x768xf32, #tpu.memory_space<hbm>>
    %dma_start3A_218 = tpu.memref_squeeze %dma_start3A_217 : memref<1x48x768xf32, #tpu.memory_space<hbm>> -> memref<48x768xf32, #tpu.memory_space<hbm>>
    tpu.enqueue_dma source(%arg18 : memref<48x768xf32, #tpu.memory_space<vmem>>) target(%dma_start3A_218 : memref<48x768xf32, #tpu.memory_space<hbm>>) target_semaphore(%arg27 : memref<!tpu.dma_semaphore, #tpu.memory_space<semaphore_mem>>)
    %dma_wait3A_219 = tpu.memref_slice %arg15[%add3A_186] : memref<672xi32, #tpu.memory_space<vmem>> -> memref<48xi32, #tpu.memory_space<vmem>>
    %dma_wait3A_220 = arith.constant 0 : i32
    %dma_wait3A_221 = arith.constant 0 : i32
    %dma_wait3A_222 = tpu.memref_slice %arg5[%dma_wait3A_220, %dma_wait3A_221] : memref<30522x768xf32, #tpu.memory_space<hbm>> -> memref<30522x768xf32, #tpu.memory_space<hbm>>
    tpu.wait_indirect_dma semaphore(%arg25 : memref<!tpu.dma_semaphore, #tpu.memory_space<semaphore_mem>>) src(%dma_wait3A_222 : memref<30522x768xf32, #tpu.memory_space<hbm>>) dst(%arg19 : memref<48x768xf32, #tpu.memory_space<vmem>>)
    %mul3A_223 = arith.constant 336 : i32
    %mul3A_224 = arith.muli %select_n3A_30, %mul3A_223 : i32
    %add3A_225 = arith.constant 240 : i32
    %add3A_226 = arith.addi %mul3A_224, %add3A_225 : i32
    %dma_start3A_227 = arith.constant 0 : i32
    %dma_start3A_228 = tpu.memref_slice %arg9[%add3A, %add3A_226, %dma_start3A_227] : memref<16x648x768xf32, #tpu.memory_space<hbm>> -> memref<1x48x768xf32, #tpu.memory_space<hbm>>
    %dma_start3A_229 = tpu.memref_squeeze %dma_start3A_228 : memref<1x48x768xf32, #tpu.memory_space<hbm>> -> memref<48x768xf32, #tpu.memory_space<hbm>>
    %dma_start3A_230 = arith.constant 0 : i32
    %dma_start3A_231 = tpu.memref_slice %arg9[%add3A, %add3A_226, %dma_start3A_230] : memref<16x648x768xf32, #tpu.memory_space<hbm>> -> memref<1x48x768xf32, #tpu.memory_space<hbm>>
    %dma_start3A_232 = tpu.memref_squeeze %dma_start3A_231 : memref<1x48x768xf32, #tpu.memory_space<hbm>> -> memref<48x768xf32, #tpu.memory_space<hbm>>
    tpu.enqueue_dma source(%arg19 : memref<48x768xf32, #tpu.memory_space<vmem>>) target(%dma_start3A_232 : memref<48x768xf32, #tpu.memory_space<hbm>>) target_semaphore(%arg28 : memref<!tpu.dma_semaphore, #tpu.memory_space<semaphore_mem>>)
    %mul3A_233 = arith.constant 64 : i32
    %mul3A_234 = arith.muli %select_n3A_30, %mul3A_233 : i32
    %dma_start3A_235 = tpu.memref_slice %arg16[%mul3A_234] : memref<128xi32, #tpu.memory_space<vmem>> -> memref<64xi32, #tpu.memory_space<vmem>>
    %dma_start3A_236 = arith.constant 0 : i32
    %dma_start3A_237 = arith.constant 0 : i32
    %dma_start3A_238 = tpu.memref_slice %arg7[%dma_start3A_236, %dma_start3A_237] : memref<30522x128xf32, #tpu.memory_space<hbm>> -> memref<30522x128xf32, #tpu.memory_space<hbm>>
    tpu.enqueue_indirect_dma source(%dma_start3A_238 : memref<30522x128xf32, #tpu.memory_space<hbm>>) target(%arg20 : memref<64x128xf32, #tpu.memory_space<vmem>>) offsets(%dma_start3A_235 : memref<64xi32, #tpu.memory_space<vmem>>) semaphore(%arg29 : memref<!tpu.dma_semaphore, #tpu.memory_space<semaphore_mem>>)
    %dma_wait3A_239 = arith.constant 0 : i32
    %dma_wait3A_240 = tpu.memref_slice %arg9[%add3A, %add3A_198, %dma_wait3A_239] : memref<16x648x768xf32, #tpu.memory_space<hbm>> -> memref<1x48x768xf32, #tpu.memory_space<hbm>>
    %dma_wait3A_241 = tpu.memref_squeeze %dma_wait3A_240 : memref<1x48x768xf32, #tpu.memory_space<hbm>> -> memref<48x768xf32, #tpu.memory_space<hbm>>
    %dma_wait3A_242 = arith.constant 0 : i32
    %dma_wait3A_243 = tpu.memref_slice %arg9[%add3A, %add3A_198, %dma_wait3A_242] : memref<16x648x768xf32, #tpu.memory_space<hbm>> -> memref<1x48x768xf32, #tpu.memory_space<hbm>>
    %dma_wait3A_244 = tpu.memref_squeeze %dma_wait3A_243 : memref<1x48x768xf32, #tpu.memory_space<hbm>> -> memref<48x768xf32, #tpu.memory_space<hbm>>
    tpu.wait_dma2 semaphore(%arg26 : memref<!tpu.dma_semaphore, #tpu.memory_space<semaphore_mem>>) src(%arg17 : memref<48x768xf32, #tpu.memory_space<vmem>>) dst(%dma_wait3A_244 : memref<48x768xf32, #tpu.memory_space<hbm>>)
    %eq3A_245 = arith.constant 0 : i32
    %eq3A_246 = arith.cmpi eq, %select_n3A_30, %eq3A_245 : i32
    %convert_element_type3A = arith.extui %eq3A_246 : i1 to i32
    %cond3A = arith.constant 0 : i32
    %cond3A_247 = arith.cmpi ne, %convert_element_type3A, %cond3A : i32
    scf.if %cond3A_247 {
      %dma_start3A_379 = arith.constant 288 : i32
      %dma_start3A_380 = tpu.memref_slice %arg15[%dma_start3A_379] : memref<672xi32, #tpu.memory_space<vmem>> -> memref<48xi32, #tpu.memory_space<vmem>>
      %dma_start3A_381 = arith.constant 0 : i32
      %dma_start3A_382 = arith.constant 0 : i32
      %dma_start3A_383 = tpu.memref_slice %arg5[%dma_start3A_381, %dma_start3A_382] : memref<30522x768xf32, #tpu.memory_space<hbm>> -> memref<30522x768xf32, #tpu.memory_space<hbm>>
      tpu.enqueue_indirect_dma source(%dma_start3A_383 : memref<30522x768xf32, #tpu.memory_space<hbm>>) target(%arg17 : memref<48x768xf32, #tpu.memory_space<vmem>>) offsets(%dma_start3A_380 : memref<48xi32, #tpu.memory_space<vmem>>) semaphore(%arg23 : memref<!tpu.dma_semaphore, #tpu.memory_space<semaphore_mem>>)
      %dma_wait3A_384 = arith.constant 288 : i32
      %dma_wait3A_385 = tpu.memref_slice %arg15[%dma_wait3A_384] : memref<672xi32, #tpu.memory_space<vmem>> -> memref<48xi32, #tpu.memory_space<vmem>>
      %dma_wait3A_386 = arith.constant 0 : i32
      %dma_wait3A_387 = arith.constant 0 : i32
      %dma_wait3A_388 = tpu.memref_slice %arg5[%dma_wait3A_386, %dma_wait3A_387] : memref<30522x768xf32, #tpu.memory_space<hbm>> -> memref<30522x768xf32, #tpu.memory_space<hbm>>
      tpu.wait_indirect_dma semaphore(%arg23 : memref<!tpu.dma_semaphore, #tpu.memory_space<semaphore_mem>>) src(%dma_wait3A_388 : memref<30522x768xf32, #tpu.memory_space<hbm>>) dst(%arg17 : memref<48x768xf32, #tpu.memory_space<vmem>>)
      %dma_start3A_389 = arith.constant 288 : i32
      %dma_start3A_390 = arith.constant 0 : i32
      %dma_start3A_391 = tpu.memref_slice %arg9[%add3A, %dma_start3A_389, %dma_start3A_390] : memref<16x648x768xf32, #tpu.memory_space<hbm>> -> memref<1x48x768xf32, #tpu.memory_space<hbm>>
      %dma_start3A_392 = tpu.memref_squeeze %dma_start3A_391 : memref<1x48x768xf32, #tpu.memory_space<hbm>> -> memref<48x768xf32, #tpu.memory_space<hbm>>
      %dma_start3A_393 = arith.constant 288 : i32
      %dma_start3A_394 = arith.constant 0 : i32
      %dma_start3A_395 = tpu.memref_slice %arg9[%add3A, %dma_start3A_393, %dma_start3A_394] : memref<16x648x768xf32, #tpu.memory_space<hbm>> -> memref<1x48x768xf32, #tpu.memory_space<hbm>>
      %dma_start3A_396 = tpu.memref_squeeze %dma_start3A_395 : memref<1x48x768xf32, #tpu.memory_space<hbm>> -> memref<48x768xf32, #tpu.memory_space<hbm>>
      tpu.enqueue_dma source(%arg17 : memref<48x768xf32, #tpu.memory_space<vmem>>) target(%dma_start3A_396 : memref<48x768xf32, #tpu.memory_space<hbm>>) target_semaphore(%arg26 : memref<!tpu.dma_semaphore, #tpu.memory_space<semaphore_mem>>)
      %dma_wait3A_397 = arith.constant 288 : i32
      %dma_wait3A_398 = arith.constant 0 : i32
      %dma_wait3A_399 = tpu.memref_slice %arg9[%add3A, %dma_wait3A_397, %dma_wait3A_398] : memref<16x648x768xf32, #tpu.memory_space<hbm>> -> memref<1x48x768xf32, #tpu.memory_space<hbm>>
      %dma_wait3A_400 = tpu.memref_squeeze %dma_wait3A_399 : memref<1x48x768xf32, #tpu.memory_space<hbm>> -> memref<48x768xf32, #tpu.memory_space<hbm>>
      %dma_wait3A_401 = arith.constant 288 : i32
      %dma_wait3A_402 = arith.constant 0 : i32
      %dma_wait3A_403 = tpu.memref_slice %arg9[%add3A, %dma_wait3A_401, %dma_wait3A_402] : memref<16x648x768xf32, #tpu.memory_space<hbm>> -> memref<1x48x768xf32, #tpu.memory_space<hbm>>
      %dma_wait3A_404 = tpu.memref_squeeze %dma_wait3A_403 : memref<1x48x768xf32, #tpu.memory_space<hbm>> -> memref<48x768xf32, #tpu.memory_space<hbm>>
      tpu.wait_dma2 semaphore(%arg26 : memref<!tpu.dma_semaphore, #tpu.memory_space<semaphore_mem>>) src(%arg17 : memref<48x768xf32, #tpu.memory_space<vmem>>) dst(%dma_wait3A_404 : memref<48x768xf32, #tpu.memory_space<hbm>>)
    } else {
    }
    %eq3A_248 = arith.constant 1 : i32
    %eq3A_249 = arith.cmpi eq, %select_n3A_30, %eq3A_248 : i32
    %convert_element_type3A_250 = arith.extui %eq3A_249 : i1 to i32
    %cond3A_251 = arith.constant 0 : i32
    %cond3A_252 = arith.cmpi ne, %convert_element_type3A_250, %cond3A_251 : i32
    scf.if %cond3A_252 {
      %dma_start3A_379 = arith.constant 0 : i32
      %dma_start3A_380 = arith.constant 0 : i32
      %dma_start3A_381 = tpu.memref_slice %arg17[%dma_start3A_379, %dma_start3A_380] : memref<48x768xf32, #tpu.memory_space<vmem>> -> memref<24x768xf32, #tpu.memory_space<vmem>>
      %dma_start3A_382 = arith.constant 624 : i32
      %dma_start3A_383 = tpu.memref_slice %arg15[%dma_start3A_382] : memref<672xi32, #tpu.memory_space<vmem>> -> memref<24xi32, #tpu.memory_space<vmem>>
      %dma_start3A_384 = arith.constant 0 : i32
      %dma_start3A_385 = arith.constant 0 : i32
      %dma_start3A_386 = tpu.memref_slice %arg5[%dma_start3A_384, %dma_start3A_385] : memref<30522x768xf32, #tpu.memory_space<hbm>> -> memref<30522x768xf32, #tpu.memory_space<hbm>>
      tpu.enqueue_indirect_dma source(%dma_start3A_386 : memref<30522x768xf32, #tpu.memory_space<hbm>>) target(%dma_start3A_381 : memref<24x768xf32, #tpu.memory_space<vmem>>) offsets(%dma_start3A_383 : memref<24xi32, #tpu.memory_space<vmem>>) semaphore(%arg23 : memref<!tpu.dma_semaphore, #tpu.memory_space<semaphore_mem>>)
      %dma_wait3A_387 = arith.constant 0 : i32
      %dma_wait3A_388 = arith.constant 0 : i32
      %dma_wait3A_389 = tpu.memref_slice %arg17[%dma_wait3A_387, %dma_wait3A_388] : memref<48x768xf32, #tpu.memory_space<vmem>> -> memref<24x768xf32, #tpu.memory_space<vmem>>
      %dma_wait3A_390 = arith.constant 624 : i32
      %dma_wait3A_391 = tpu.memref_slice %arg15[%dma_wait3A_390] : memref<672xi32, #tpu.memory_space<vmem>> -> memref<24xi32, #tpu.memory_space<vmem>>
      %dma_wait3A_392 = arith.constant 0 : i32
      %dma_wait3A_393 = arith.constant 0 : i32
      %dma_wait3A_394 = tpu.memref_slice %arg5[%dma_wait3A_392, %dma_wait3A_393] : memref<30522x768xf32, #tpu.memory_space<hbm>> -> memref<30522x768xf32, #tpu.memory_space<hbm>>
      tpu.wait_indirect_dma semaphore(%arg23 : memref<!tpu.dma_semaphore, #tpu.memory_space<semaphore_mem>>) src(%dma_wait3A_394 : memref<30522x768xf32, #tpu.memory_space<hbm>>) dst(%dma_wait3A_389 : memref<24x768xf32, #tpu.memory_space<vmem>>)
      %dma_start3A_395 = arith.constant 0 : i32
      %dma_start3A_396 = arith.constant 0 : i32
      %dma_start3A_397 = tpu.memref_slice %arg17[%dma_start3A_395, %dma_start3A_396] : memref<48x768xf32, #tpu.memory_space<vmem>> -> memref<24x768xf32, #tpu.memory_space<vmem>>
      %dma_start3A_398 = arith.constant 624 : i32
      %dma_start3A_399 = arith.constant 0 : i32
      %dma_start3A_400 = tpu.memref_slice %arg9[%add3A, %dma_start3A_398, %dma_start3A_399] : memref<16x648x768xf32, #tpu.memory_space<hbm>> -> memref<1x24x768xf32, #tpu.memory_space<hbm>>
      %dma_start3A_401 = tpu.memref_squeeze %dma_start3A_400 : memref<1x24x768xf32, #tpu.memory_space<hbm>> -> memref<24x768xf32, #tpu.memory_space<hbm>>
      %dma_start3A_402 = arith.constant 624 : i32
      %dma_start3A_403 = arith.constant 0 : i32
      %dma_start3A_404 = tpu.memref_slice %arg9[%add3A, %dma_start3A_402, %dma_start3A_403] : memref<16x648x768xf32, #tpu.memory_space<hbm>> -> memref<1x24x768xf32, #tpu.memory_space<hbm>>
      %dma_start3A_405 = tpu.memref_squeeze %dma_start3A_404 : memref<1x24x768xf32, #tpu.memory_space<hbm>> -> memref<24x768xf32, #tpu.memory_space<hbm>>
      %dma_start3A_406 = arith.constant 0 : i32
      %dma_start3A_407 = arith.constant 0 : i32
      %dma_start3A_408 = tpu.memref_slice %arg17[%dma_start3A_406, %dma_start3A_407] : memref<48x768xf32, #tpu.memory_space<vmem>> -> memref<24x768xf32, #tpu.memory_space<vmem>>
      tpu.enqueue_dma source(%dma_start3A_408 : memref<24x768xf32, #tpu.memory_space<vmem>>) target(%dma_start3A_405 : memref<24x768xf32, #tpu.memory_space<hbm>>) target_semaphore(%arg26 : memref<!tpu.dma_semaphore, #tpu.memory_space<semaphore_mem>>)
      %dma_wait3A_409 = arith.constant 0 : i32
      %dma_wait3A_410 = arith.constant 0 : i32
      %dma_wait3A_411 = tpu.memref_slice %arg17[%dma_wait3A_409, %dma_wait3A_410] : memref<48x768xf32, #tpu.memory_space<vmem>> -> memref<24x768xf32, #tpu.memory_space<vmem>>
      %dma_wait3A_412 = arith.constant 624 : i32
      %dma_wait3A_413 = arith.constant 0 : i32
      %dma_wait3A_414 = tpu.memref_slice %arg9[%add3A, %dma_wait3A_412, %dma_wait3A_413] : memref<16x648x768xf32, #tpu.memory_space<hbm>> -> memref<1x24x768xf32, #tpu.memory_space<hbm>>
      %dma_wait3A_415 = tpu.memref_squeeze %dma_wait3A_414 : memref<1x24x768xf32, #tpu.memory_space<hbm>> -> memref<24x768xf32, #tpu.memory_space<hbm>>
      %dma_wait3A_416 = arith.constant 624 : i32
      %dma_wait3A_417 = arith.constant 0 : i32
      %dma_wait3A_418 = tpu.memref_slice %arg9[%add3A, %dma_wait3A_416, %dma_wait3A_417] : memref<16x648x768xf32, #tpu.memory_space<hbm>> -> memref<1x24x768xf32, #tpu.memory_space<hbm>>
      %dma_wait3A_419 = tpu.memref_squeeze %dma_wait3A_418 : memref<1x24x768xf32, #tpu.memory_space<hbm>> -> memref<24x768xf32, #tpu.memory_space<hbm>>
      %dma_wait3A_420 = arith.constant 0 : i32
      %dma_wait3A_421 = arith.constant 0 : i32
      %dma_wait3A_422 = tpu.memref_slice %arg17[%dma_wait3A_420, %dma_wait3A_421] : memref<48x768xf32, #tpu.memory_space<vmem>> -> memref<24x768xf32, #tpu.memory_space<vmem>>
      tpu.wait_dma2 semaphore(%arg26 : memref<!tpu.dma_semaphore, #tpu.memory_space<semaphore_mem>>) src(%dma_wait3A_422 : memref<24x768xf32, #tpu.memory_space<vmem>>) dst(%dma_wait3A_419 : memref<24x768xf32, #tpu.memory_space<hbm>>)
    } else {
    }
    %dma_wait3A_253 = arith.constant 0 : i32
    %dma_wait3A_254 = tpu.memref_slice %arg9[%add3A, %add3A_212, %dma_wait3A_253] : memref<16x648x768xf32, #tpu.memory_space<hbm>> -> memref<1x48x768xf32, #tpu.memory_space<hbm>>
    %dma_wait3A_255 = tpu.memref_squeeze %dma_wait3A_254 : memref<1x48x768xf32, #tpu.memory_space<hbm>> -> memref<48x768xf32, #tpu.memory_space<hbm>>
    %dma_wait3A_256 = arith.constant 0 : i32
    %dma_wait3A_257 = tpu.memref_slice %arg9[%add3A, %add3A_212, %dma_wait3A_256] : memref<16x648x768xf32, #tpu.memory_space<hbm>> -> memref<1x48x768xf32, #tpu.memory_space<hbm>>
    %dma_wait3A_258 = tpu.memref_squeeze %dma_wait3A_257 : memref<1x48x768xf32, #tpu.memory_space<hbm>> -> memref<48x768xf32, #tpu.memory_space<hbm>>
    tpu.wait_dma2 semaphore(%arg27 : memref<!tpu.dma_semaphore, #tpu.memory_space<semaphore_mem>>) src(%arg18 : memref<48x768xf32, #tpu.memory_space<vmem>>) dst(%dma_wait3A_258 : memref<48x768xf32, #tpu.memory_space<hbm>>)
    %dma_wait3A_259 = arith.constant 0 : i32
    %dma_wait3A_260 = tpu.memref_slice %arg9[%add3A, %add3A_226, %dma_wait3A_259] : memref<16x648x768xf32, #tpu.memory_space<hbm>> -> memref<1x48x768xf32, #tpu.memory_space<hbm>>
    %dma_wait3A_261 = tpu.memref_squeeze %dma_wait3A_260 : memref<1x48x768xf32, #tpu.memory_space<hbm>> -> memref<48x768xf32, #tpu.memory_space<hbm>>
    %dma_wait3A_262 = arith.constant 0 : i32
    %dma_wait3A_263 = tpu.memref_slice %arg9[%add3A, %add3A_226, %dma_wait3A_262] : memref<16x648x768xf32, #tpu.memory_space<hbm>> -> memref<1x48x768xf32, #tpu.memory_space<hbm>>
    %dma_wait3A_264 = tpu.memref_squeeze %dma_wait3A_263 : memref<1x48x768xf32, #tpu.memory_space<hbm>> -> memref<48x768xf32, #tpu.memory_space<hbm>>
    tpu.wait_dma2 semaphore(%arg28 : memref<!tpu.dma_semaphore, #tpu.memory_space<semaphore_mem>>) src(%arg19 : memref<48x768xf32, #tpu.memory_space<vmem>>) dst(%dma_wait3A_264 : memref<48x768xf32, #tpu.memory_space<hbm>>)
    %mul3A_265 = arith.constant 64 : i32
    %mul3A_266 = arith.muli %select_n3A_30, %mul3A_265 : i32
    %dma_start3A_267 = arith.constant 0 : i32
    %dma_start3A_268 = arith.constant 0 : i32
    %dma_start3A_269 = tpu.memref_slice %arg17[%dma_start3A_267, %dma_start3A_268] : memref<48x768xf32, #tpu.memory_space<vmem>> -> memref<32x768xf32, #tpu.memory_space<vmem>>
    %dma_start3A_270 = tpu.memref_slice %arg16[%mul3A_266] : memref<128xi32, #tpu.memory_space<vmem>> -> memref<32xi32, #tpu.memory_space<vmem>>
    %dma_start3A_271 = arith.constant 0 : i32
    %dma_start3A_272 = arith.constant 0 : i32
    %dma_start3A_273 = tpu.memref_slice %arg6[%dma_start3A_271, %dma_start3A_272] : memref<30522x768xf32, #tpu.memory_space<hbm>> -> memref<30522x768xf32, #tpu.memory_space<hbm>>
    tpu.enqueue_indirect_dma source(%dma_start3A_273 : memref<30522x768xf32, #tpu.memory_space<hbm>>) target(%dma_start3A_269 : memref<32x768xf32, #tpu.memory_space<vmem>>) offsets(%dma_start3A_270 : memref<32xi32, #tpu.memory_space<vmem>>) semaphore(%arg23 : memref<!tpu.dma_semaphore, #tpu.memory_space<semaphore_mem>>)
    %mul3A_274 = arith.constant 64 : i32
    %mul3A_275 = arith.muli %select_n3A_30, %mul3A_274 : i32
    %add3A_276 = arith.constant 32 : i32
    %add3A_277 = arith.addi %mul3A_275, %add3A_276 : i32
    %dma_start3A_278 = arith.constant 0 : i32
    %dma_start3A_279 = arith.constant 0 : i32
    %dma_start3A_280 = tpu.memref_slice %arg18[%dma_start3A_278, %dma_start3A_279] : memref<48x768xf32, #tpu.memory_space<vmem>> -> memref<32x768xf32, #tpu.memory_space<vmem>>
    %dma_start3A_281 = tpu.memref_slice %arg16[%add3A_277] : memref<128xi32, #tpu.memory_space<vmem>> -> memref<32xi32, #tpu.memory_space<vmem>>
    %dma_start3A_282 = arith.constant 0 : i32
    %dma_start3A_283 = arith.constant 0 : i32
    %dma_start3A_284 = tpu.memref_slice %arg6[%dma_start3A_282, %dma_start3A_283] : memref<30522x768xf32, #tpu.memory_space<hbm>> -> memref<30522x768xf32, #tpu.memory_space<hbm>>
    tpu.enqueue_indirect_dma source(%dma_start3A_284 : memref<30522x768xf32, #tpu.memory_space<hbm>>) target(%dma_start3A_280 : memref<32x768xf32, #tpu.memory_space<vmem>>) offsets(%dma_start3A_281 : memref<32xi32, #tpu.memory_space<vmem>>) semaphore(%arg24 : memref<!tpu.dma_semaphore, #tpu.memory_space<semaphore_mem>>)
    %dma_wait3A_285 = arith.constant 0 : i32
    %dma_wait3A_286 = arith.constant 0 : i32
    %dma_wait3A_287 = tpu.memref_slice %arg17[%dma_wait3A_285, %dma_wait3A_286] : memref<48x768xf32, #tpu.memory_space<vmem>> -> memref<32x768xf32, #tpu.memory_space<vmem>>
    %dma_wait3A_288 = tpu.memref_slice %arg16[%mul3A_266] : memref<128xi32, #tpu.memory_space<vmem>> -> memref<32xi32, #tpu.memory_space<vmem>>
    %dma_wait3A_289 = arith.constant 0 : i32
    %dma_wait3A_290 = arith.constant 0 : i32
    %dma_wait3A_291 = tpu.memref_slice %arg6[%dma_wait3A_289, %dma_wait3A_290] : memref<30522x768xf32, #tpu.memory_space<hbm>> -> memref<30522x768xf32, #tpu.memory_space<hbm>>
    tpu.wait_indirect_dma semaphore(%arg23 : memref<!tpu.dma_semaphore, #tpu.memory_space<semaphore_mem>>) src(%dma_wait3A_291 : memref<30522x768xf32, #tpu.memory_space<hbm>>) dst(%dma_wait3A_287 : memref<32x768xf32, #tpu.memory_space<vmem>>)
    %mul3A_292 = arith.constant 64 : i32
    %mul3A_293 = arith.muli %select_n3A_30, %mul3A_292 : i32
    %dma_start3A_294 = arith.constant 0 : i32
    %dma_start3A_295 = arith.constant 0 : i32
    %dma_start3A_296 = tpu.memref_slice %arg17[%dma_start3A_294, %dma_start3A_295] : memref<48x768xf32, #tpu.memory_space<vmem>> -> memref<32x768xf32, #tpu.memory_space<vmem>>
    %dma_start3A_297 = arith.constant 0 : i32
    %dma_start3A_298 = tpu.memref_slice %arg10[%add3A, %mul3A_293, %dma_start3A_297] : memref<16x128x768xf32, #tpu.memory_space<hbm>> -> memref<1x32x768xf32, #tpu.memory_space<hbm>>
    %dma_start3A_299 = tpu.memref_squeeze %dma_start3A_298 : memref<1x32x768xf32, #tpu.memory_space<hbm>> -> memref<32x768xf32, #tpu.memory_space<hbm>>
    %dma_start3A_300 = arith.constant 0 : i32
    %dma_start3A_301 = tpu.memref_slice %arg10[%add3A, %mul3A_293, %dma_start3A_300] : memref<16x128x768xf32, #tpu.memory_space<hbm>> -> memref<1x32x768xf32, #tpu.memory_space<hbm>>
    %dma_start3A_302 = tpu.memref_squeeze %dma_start3A_301 : memref<1x32x768xf32, #tpu.memory_space<hbm>> -> memref<32x768xf32, #tpu.memory_space<hbm>>
    %dma_start3A_303 = arith.constant 0 : i32
    %dma_start3A_304 = arith.constant 0 : i32
    %dma_start3A_305 = tpu.memref_slice %arg17[%dma_start3A_303, %dma_start3A_304] : memref<48x768xf32, #tpu.memory_space<vmem>> -> memref<32x768xf32, #tpu.memory_space<vmem>>
    tpu.enqueue_dma source(%dma_start3A_305 : memref<32x768xf32, #tpu.memory_space<vmem>>) target(%dma_start3A_302 : memref<32x768xf32, #tpu.memory_space<hbm>>) target_semaphore(%arg26 : memref<!tpu.dma_semaphore, #tpu.memory_space<semaphore_mem>>)
    %dma_wait3A_306 = arith.constant 0 : i32
    %dma_wait3A_307 = arith.constant 0 : i32
    %dma_wait3A_308 = tpu.memref_slice %arg18[%dma_wait3A_306, %dma_wait3A_307] : memref<48x768xf32, #tpu.memory_space<vmem>> -> memref<32x768xf32, #tpu.memory_space<vmem>>
    %dma_wait3A_309 = tpu.memref_slice %arg16[%add3A_277] : memref<128xi32, #tpu.memory_space<vmem>> -> memref<32xi32, #tpu.memory_space<vmem>>
    %dma_wait3A_310 = arith.constant 0 : i32
    %dma_wait3A_311 = arith.constant 0 : i32
    %dma_wait3A_312 = tpu.memref_slice %arg6[%dma_wait3A_310, %dma_wait3A_311] : memref<30522x768xf32, #tpu.memory_space<hbm>> -> memref<30522x768xf32, #tpu.memory_space<hbm>>
    tpu.wait_indirect_dma semaphore(%arg24 : memref<!tpu.dma_semaphore, #tpu.memory_space<semaphore_mem>>) src(%dma_wait3A_312 : memref<30522x768xf32, #tpu.memory_space<hbm>>) dst(%dma_wait3A_308 : memref<32x768xf32, #tpu.memory_space<vmem>>)
    %mul3A_313 = arith.constant 64 : i32
    %mul3A_314 = arith.muli %select_n3A_30, %mul3A_313 : i32
    %add3A_315 = arith.constant 32 : i32
    %add3A_316 = arith.addi %mul3A_314, %add3A_315 : i32
    %dma_start3A_317 = arith.constant 0 : i32
    %dma_start3A_318 = arith.constant 0 : i32
    %dma_start3A_319 = tpu.memref_slice %arg18[%dma_start3A_317, %dma_start3A_318] : memref<48x768xf32, #tpu.memory_space<vmem>> -> memref<32x768xf32, #tpu.memory_space<vmem>>
    %dma_start3A_320 = arith.constant 0 : i32
    %dma_start3A_321 = tpu.memref_slice %arg10[%add3A, %add3A_316, %dma_start3A_320] : memref<16x128x768xf32, #tpu.memory_space<hbm>> -> memref<1x32x768xf32, #tpu.memory_space<hbm>>
    %dma_start3A_322 = tpu.memref_squeeze %dma_start3A_321 : memref<1x32x768xf32, #tpu.memory_space<hbm>> -> memref<32x768xf32, #tpu.memory_space<hbm>>
    %dma_start3A_323 = arith.constant 0 : i32
    %dma_start3A_324 = tpu.memref_slice %arg10[%add3A, %add3A_316, %dma_start3A_323] : memref<16x128x768xf32, #tpu.memory_space<hbm>> -> memref<1x32x768xf32, #tpu.memory_space<hbm>>
    %dma_start3A_325 = tpu.memref_squeeze %dma_start3A_324 : memref<1x32x768xf32, #tpu.memory_space<hbm>> -> memref<32x768xf32, #tpu.memory_space<hbm>>
    %dma_start3A_326 = arith.constant 0 : i32
    %dma_start3A_327 = arith.constant 0 : i32
    %dma_start3A_328 = tpu.memref_slice %arg18[%dma_start3A_326, %dma_start3A_327] : memref<48x768xf32, #tpu.memory_space<vmem>> -> memref<32x768xf32, #tpu.memory_space<vmem>>
    tpu.enqueue_dma source(%dma_start3A_328 : memref<32x768xf32, #tpu.memory_space<vmem>>) target(%dma_start3A_325 : memref<32x768xf32, #tpu.memory_space<hbm>>) target_semaphore(%arg27 : memref<!tpu.dma_semaphore, #tpu.memory_space<semaphore_mem>>)
    %dma_wait3A_329 = tpu.memref_slice %arg16[%mul3A_234] : memref<128xi32, #tpu.memory_space<vmem>> -> memref<64xi32, #tpu.memory_space<vmem>>
    %dma_wait3A_330 = arith.constant 0 : i32
    %dma_wait3A_331 = arith.constant 0 : i32
    %dma_wait3A_332 = tpu.memref_slice %arg7[%dma_wait3A_330, %dma_wait3A_331] : memref<30522x128xf32, #tpu.memory_space<hbm>> -> memref<30522x128xf32, #tpu.memory_space<hbm>>
    tpu.wait_indirect_dma semaphore(%arg29 : memref<!tpu.dma_semaphore, #tpu.memory_space<semaphore_mem>>) src(%dma_wait3A_332 : memref<30522x128xf32, #tpu.memory_space<hbm>>) dst(%arg20 : memref<64x128xf32, #tpu.memory_space<vmem>>)
    %mul3A_333 = arith.constant 64 : i32
    %mul3A_334 = arith.muli %select_n3A_30, %mul3A_333 : i32
    %dma_start3A_335 = arith.constant 0 : i32
    %dma_start3A_336 = tpu.memref_slice %arg11[%add3A, %mul3A_334, %dma_start3A_335] : memref<16x128x128xf32, #tpu.memory_space<hbm>> -> memref<1x64x128xf32, #tpu.memory_space<hbm>>
    %dma_start3A_337 = tpu.memref_squeeze %dma_start3A_336 : memref<1x64x128xf32, #tpu.memory_space<hbm>> -> memref<64x128xf32, #tpu.memory_space<hbm>>
    %dma_start3A_338 = arith.constant 0 : i32
    %dma_start3A_339 = tpu.memref_slice %arg11[%add3A, %mul3A_334, %dma_start3A_338] : memref<16x128x128xf32, #tpu.memory_space<hbm>> -> memref<1x64x128xf32, #tpu.memory_space<hbm>>
    %dma_start3A_340 = tpu.memref_squeeze %dma_start3A_339 : memref<1x64x128xf32, #tpu.memory_space<hbm>> -> memref<64x128xf32, #tpu.memory_space<hbm>>
    tpu.enqueue_dma source(%arg20 : memref<64x128xf32, #tpu.memory_space<vmem>>) target(%dma_start3A_340 : memref<64x128xf32, #tpu.memory_space<hbm>>) target_semaphore(%arg29 : memref<!tpu.dma_semaphore, #tpu.memory_space<semaphore_mem>>)
    %dma_wait3A_341 = arith.constant 0 : i32
    %dma_wait3A_342 = arith.constant 0 : i32
    %dma_wait3A_343 = tpu.memref_slice %arg17[%dma_wait3A_341, %dma_wait3A_342] : memref<48x768xf32, #tpu.memory_space<vmem>> -> memref<32x768xf32, #tpu.memory_space<vmem>>
    %dma_wait3A_344 = arith.constant 0 : i32
    %dma_wait3A_345 = tpu.memref_slice %arg10[%add3A, %mul3A_293, %dma_wait3A_344] : memref<16x128x768xf32, #tpu.memory_space<hbm>> -> memref<1x32x768xf32, #tpu.memory_space<hbm>>
    %dma_wait3A_346 = tpu.memref_squeeze %dma_wait3A_345 : memref<1x32x768xf32, #tpu.memory_space<hbm>> -> memref<32x768xf32, #tpu.memory_space<hbm>>
    %dma_wait3A_347 = arith.constant 0 : i32
    %dma_wait3A_348 = tpu.memref_slice %arg10[%add3A, %mul3A_293, %dma_wait3A_347] : memref<16x128x768xf32, #tpu.memory_space<hbm>> -> memref<1x32x768xf32, #tpu.memory_space<hbm>>
    %dma_wait3A_349 = tpu.memref_squeeze %dma_wait3A_348 : memref<1x32x768xf32, #tpu.memory_space<hbm>> -> memref<32x768xf32, #tpu.memory_space<hbm>>
    %dma_wait3A_350 = arith.constant 0 : i32
    %dma_wait3A_351 = arith.constant 0 : i32
    %dma_wait3A_352 = tpu.memref_slice %arg17[%dma_wait3A_350, %dma_wait3A_351] : memref<48x768xf32, #tpu.memory_space<vmem>> -> memref<32x768xf32, #tpu.memory_space<vmem>>
    tpu.wait_dma2 semaphore(%arg26 : memref<!tpu.dma_semaphore, #tpu.memory_space<semaphore_mem>>) src(%dma_wait3A_352 : memref<32x768xf32, #tpu.memory_space<vmem>>) dst(%dma_wait3A_349 : memref<32x768xf32, #tpu.memory_space<hbm>>)
    %dma_wait3A_353 = arith.constant 0 : i32
    %dma_wait3A_354 = arith.constant 0 : i32
    %dma_wait3A_355 = tpu.memref_slice %arg18[%dma_wait3A_353, %dma_wait3A_354] : memref<48x768xf32, #tpu.memory_space<vmem>> -> memref<32x768xf32, #tpu.memory_space<vmem>>
    %dma_wait3A_356 = arith.constant 0 : i32
    %dma_wait3A_357 = tpu.memref_slice %arg10[%add3A, %add3A_316, %dma_wait3A_356] : memref<16x128x768xf32, #tpu.memory_space<hbm>> -> memref<1x32x768xf32, #tpu.memory_space<hbm>>
    %dma_wait3A_358 = tpu.memref_squeeze %dma_wait3A_357 : memref<1x32x768xf32, #tpu.memory_space<hbm>> -> memref<32x768xf32, #tpu.memory_space<hbm>>
    %dma_wait3A_359 = arith.constant 0 : i32
    %dma_wait3A_360 = tpu.memref_slice %arg10[%add3A, %add3A_316, %dma_wait3A_359] : memref<16x128x768xf32, #tpu.memory_space<hbm>> -> memref<1x32x768xf32, #tpu.memory_space<hbm>>
    %dma_wait3A_361 = tpu.memref_squeeze %dma_wait3A_360 : memref<1x32x768xf32, #tpu.memory_space<hbm>> -> memref<32x768xf32, #tpu.memory_space<hbm>>
    %dma_wait3A_362 = arith.constant 0 : i32
    %dma_wait3A_363 = arith.constant 0 : i32
    %dma_wait3A_364 = tpu.memref_slice %arg18[%dma_wait3A_362, %dma_wait3A_363] : memref<48x768xf32, #tpu.memory_space<vmem>> -> memref<32x768xf32, #tpu.memory_space<vmem>>
    tpu.wait_dma2 semaphore(%arg27 : memref<!tpu.dma_semaphore, #tpu.memory_space<semaphore_mem>>) src(%dma_wait3A_364 : memref<32x768xf32, #tpu.memory_space<vmem>>) dst(%dma_wait3A_361 : memref<32x768xf32, #tpu.memory_space<hbm>>)
    %dma_wait3A_365 = arith.constant 0 : i32
    %dma_wait3A_366 = tpu.memref_slice %arg11[%add3A, %mul3A_334, %dma_wait3A_365] : memref<16x128x128xf32, #tpu.memory_space<hbm>> -> memref<1x64x128xf32, #tpu.memory_space<hbm>>
    %dma_wait3A_367 = tpu.memref_squeeze %dma_wait3A_366 : memref<1x64x128xf32, #tpu.memory_space<hbm>> -> memref<64x128xf32, #tpu.memory_space<hbm>>
    %dma_wait3A_368 = arith.constant 0 : i32
    %dma_wait3A_369 = tpu.memref_slice %arg11[%add3A, %mul3A_334, %dma_wait3A_368] : memref<16x128x128xf32, #tpu.memory_space<hbm>> -> memref<1x64x128xf32, #tpu.memory_space<hbm>>
    %dma_wait3A_370 = tpu.memref_squeeze %dma_wait3A_369 : memref<1x64x128xf32, #tpu.memory_space<hbm>> -> memref<64x128xf32, #tpu.memory_space<hbm>>
    tpu.wait_dma2 semaphore(%arg29 : memref<!tpu.dma_semaphore, #tpu.memory_space<semaphore_mem>>) src(%arg20 : memref<64x128xf32, #tpu.memory_space<vmem>>) dst(%dma_wait3A_370 : memref<64x128xf32, #tpu.memory_space<hbm>>)
    %eq3A_371 = arith.constant 0 : i32
    %eq3A_372 = arith.cmpi eq, %arg0, %eq3A_371 : i32
    %eq3A_373 = arith.constant 0 : i32
    %eq3A_374 = arith.cmpi eq, %arg1, %eq3A_373 : i32
    %and3A_375 = arith.andi %eq3A_372, %eq3A_374 : i1
    %convert_element_type3A_376 = arith.extui %and3A_375 : i1 to i32
    %cond3A_377 = arith.constant 0 : i32
    %cond3A_378 = arith.cmpi ne, %convert_element_type3A_376, %cond3A_377 : i32
    scf.if %cond3A_378 {
      "tpu.region"() ({
        %run_scoped3A = tpu.sem_alloc : memref<!tpu.dma_semaphore, #tpu.memory_space<semaphore_mem>>
        tpu.enqueue_dma source(%arg4 : memref<16xi32, #tpu.memory_space<hbm>>) target(%arg22 : memref<16xi32, #tpu.memory_space<vmem>>) target_semaphore(%run_scoped3A : memref<!tpu.dma_semaphore, #tpu.memory_space<semaphore_mem>>)
        tpu.wait_dma2 semaphore(%run_scoped3A : memref<!tpu.dma_semaphore, #tpu.memory_space<semaphore_mem>>) src(%arg4 : memref<16xi32, #tpu.memory_space<hbm>>) dst(%arg22 : memref<16xi32, #tpu.memory_space<vmem>>)
        tpu.yield
      }) : () -> ()
      %dma_start3A_379 = arith.constant 0 : i32
      %dma_start3A_380 = arith.constant 0 : i32
      %dma_start3A_381 = tpu.memref_slice %arg8[%dma_start3A_379, %dma_start3A_380] : memref<100000x128xf32, #tpu.memory_space<hbm>> -> memref<100000x128xf32, #tpu.memory_space<hbm>>
      tpu.enqueue_indirect_dma source(%dma_start3A_381 : memref<100000x128xf32, #tpu.memory_space<hbm>>) target(%arg21 : memref<16x128xf32, #tpu.memory_space<vmem>>) offsets(%arg22 : memref<16xi32, #tpu.memory_space<vmem>>) semaphore(%arg29 : memref<!tpu.dma_semaphore, #tpu.memory_space<semaphore_mem>>)
      %dma_wait3A_382 = arith.constant 0 : i32
      %dma_wait3A_383 = arith.constant 0 : i32
      %dma_wait3A_384 = tpu.memref_slice %arg8[%dma_wait3A_382, %dma_wait3A_383] : memref<100000x128xf32, #tpu.memory_space<hbm>> -> memref<100000x128xf32, #tpu.memory_space<hbm>>
      tpu.wait_indirect_dma semaphore(%arg29 : memref<!tpu.dma_semaphore, #tpu.memory_space<semaphore_mem>>) src(%dma_wait3A_384 : memref<100000x128xf32, #tpu.memory_space<hbm>>) dst(%arg21 : memref<16x128xf32, #tpu.memory_space<vmem>>)
      "tpu.region"() ({
        %run_scoped3A = tpu.sem_alloc : memref<!tpu.dma_semaphore, #tpu.memory_space<semaphore_mem>>
        tpu.enqueue_dma source(%arg21 : memref<16x128xf32, #tpu.memory_space<vmem>>) target(%arg12 : memref<16x128xf32, #tpu.memory_space<hbm>>) target_semaphore(%run_scoped3A : memref<!tpu.dma_semaphore, #tpu.memory_space<semaphore_mem>>)
        tpu.wait_dma2 semaphore(%run_scoped3A : memref<!tpu.dma_semaphore, #tpu.memory_space<semaphore_mem>>) src(%arg21 : memref<16x128xf32, #tpu.memory_space<vmem>>) dst(%arg12 : memref<16x128xf32, #tpu.memory_space<hbm>>)
        tpu.yield
      }) : () -> ()
    } else {
    }
    return
  }
}

module attributes {stable_mosaic.version = 14 : i64} {
  func.func @_tc_finish(%arg0: i32, %arg1: memref<1x1x512xi32, #tpu.memory_space<vmem>>, %arg2: memref<1x1x128xi32, #tpu.memory_space<vmem>>, %arg3: memref<1x648x768xf32, #tpu.memory_space<vmem>>, %arg4: memref<1x128x768xf32, #tpu.memory_space<vmem>>, %arg5: memref<1x128x128xf32, #tpu.memory_space<vmem>>, %arg6: memref<16x128xf32, #tpu.memory_space<vmem>>, %arg7: memref<1024x768xf32, #tpu.memory_space<vmem>>, %arg8: memref<768x128xf32, #tpu.memory_space<vmem>>, %arg9: memref<1x768xf32, #tpu.memory_space<vmem>>, %arg10: memref<768x128xf32, #tpu.memory_space<vmem>>, %arg11: memref<1x768xf32, #tpu.memory_space<vmem>>, %arg12: memref<3x768xf32, #tpu.memory_space<vmem>>, %arg13: memref<1x768xf32, #tpu.memory_space<vmem>>, %arg14: memref<1x768xf32, #tpu.memory_space<vmem>>, %arg15: memref<1x643x768xf32, #tpu.memory_space<vmem>>, %arg16: memref<1x1x643xi32, #tpu.memory_space<vmem>>) attributes {dimension_semantics = [#tpu.dimension_semantics<arbitrary>], iteration_bounds = array<i64: 16>, scalar_prefetch = 0 : i64, scratch_operands = 0 : i64, tpu.core_type = #tpu.core_type<tc>, window_params = [{transform_indices = @transform_0, window_bounds = array<i64: 1, 1, 512>}, {transform_indices = @transform_1, window_bounds = array<i64: 1, 1, 128>}, {transform_indices = @transform_2, window_bounds = array<i64: 1, 648, 768>}, {transform_indices = @transform_3, window_bounds = array<i64: 1, 128, 768>}, {transform_indices = @transform_4, window_bounds = array<i64: 1, 128, 128>}, {pipeline_mode = #tpu.pipeline_mode<synchronous>, transform_indices = @transform_5, window_bounds = array<i64: 16, 128>}, {pipeline_mode = #tpu.pipeline_mode<synchronous>, transform_indices = @transform_6, window_bounds = array<i64: 1024, 768>}, {pipeline_mode = #tpu.pipeline_mode<synchronous>, transform_indices = @transform_7, window_bounds = array<i64: 768, 128>}, {pipeline_mode = #tpu.pipeline_mode<synchronous>, transform_indices = @transform_8, window_bounds = array<i64: 1, 768>}, {pipeline_mode = #tpu.pipeline_mode<synchronous>, transform_indices = @transform_9, window_bounds = array<i64: 768, 128>}, {pipeline_mode = #tpu.pipeline_mode<synchronous>, transform_indices = @transform_10, window_bounds = array<i64: 1, 768>}, {pipeline_mode = #tpu.pipeline_mode<synchronous>, transform_indices = @transform_11, window_bounds = array<i64: 3, 768>}, {pipeline_mode = #tpu.pipeline_mode<synchronous>, transform_indices = @transform_12, window_bounds = array<i64: 1, 768>}, {pipeline_mode = #tpu.pipeline_mode<synchronous>, transform_indices = @transform_13, window_bounds = array<i64: 1, 768>}, {transform_indices = @transform_14, window_bounds = array<i64: 1, 643, 768>}, {transform_indices = @transform_15, window_bounds = array<i64: 1, 1, 643>}]} {
    %get3A = arith.constant 0 : index
    %get3A_0 = arith.constant 0 : index
    %get3A_1 = arith.constant 0 : index
    %get3A_2 = vector.load %arg1[%get3A, %get3A_0, %get3A_1] : memref<1x1x512xi32, #tpu.memory_space<vmem>>, vector<1x1x512xi32>
    %get3A_3 = vector.shape_cast %get3A_2 : vector<1x1x512xi32> to vector<1x512xi32>
    %get3A_4 = arith.constant 0 : index
    %get3A_5 = arith.constant 0 : index
    %get3A_6 = arith.constant 0 : index
    %get3A_7 = vector.load %arg2[%get3A_4, %get3A_5, %get3A_6] : memref<1x1x128xi32, #tpu.memory_space<vmem>>, vector<1x1x128xi32>
    %get3A_8 = vector.shape_cast %get3A_7 : vector<1x1x128xi32> to vector<1x128xi32>
    %slice3A = vector.extract_strided_slice %get3A_3 {offsets = [0, 1], sizes = [1, 511], strides = [1, 1]} : vector<1x512xi32> to vector<1x511xi32>
    %gt3A = arith.constant 0 : i32
    %gt3A_9 = vector.broadcast %gt3A : i32 to vector<1x511xi32>
    %gt3A_10 = arith.cmpi sgt, %slice3A, %gt3A_9 : vector<1x511xi32>
    %convert_element_type3A = arith.extui %gt3A_10 : vector<1x511xi1> to vector<1x511xi32>
    %reduce_sum3A = vector.shape_cast %convert_element_type3A : vector<1x511xi32> to vector<1x1x511xi32>
    %reduce_sum3A_11 = arith.constant dense<0> : vector<1xi32>
    %reduce_sum3A_12 = vector.multi_reduction <add>, %reduce_sum3A, %reduce_sum3A_11 [1, 2] : vector<1x1x511xi32> to vector<1xi32>
    %reduce_sum3A_13 = vector.shape_cast %reduce_sum3A_12 : vector<1xi32> to vector<1x1x1xi32>
    %reduce_sum3A_14 = vector.extract %reduce_sum3A_13[0, 0, 0] : i32 from vector<1x1x1xi32>
    %gt3A_15 = arith.constant 0 : i32
    %gt3A_16 = vector.broadcast %gt3A_15 : i32 to vector<1x128xi32>
    %gt3A_17 = arith.cmpi sgt, %get3A_8, %gt3A_16 : vector<1x128xi32>
    %convert_element_type3A_18 = arith.extui %gt3A_17 : vector<1x128xi1> to vector<1x128xi32>
    %reduce_sum3A_19 = vector.shape_cast %convert_element_type3A_18 : vector<1x128xi32> to vector<1x1x128xi32>
    %reduce_sum3A_20 = arith.constant dense<0> : vector<1xi32>
    %reduce_sum3A_21 = vector.multi_reduction <add>, %reduce_sum3A_19, %reduce_sum3A_20 [1, 2] : vector<1x1x128xi32> to vector<1xi32>
    %reduce_sum3A_22 = vector.shape_cast %reduce_sum3A_21 : vector<1xi32> to vector<1x1x1xi32>
    %reduce_sum3A_23 = vector.extract %reduce_sum3A_22[0, 0, 0] : i32 from vector<1x1x1xi32>
    %add3A = arith.constant 3 : i32
    %add3A_24 = arith.addi %reduce_sum3A_14, %add3A : i32
    %add3A_25 = arith.addi %add3A_24, %reduce_sum3A_23 : i32
    %get3A_26 = arith.constant 0 : index
    %get3A_27 = arith.constant 0 : index
    %get3A_28 = arith.constant 0 : index
    %get3A_29 = vector.load %arg5[%get3A_26, %get3A_27, %get3A_28] : memref<1x128x128xf32, #tpu.memory_space<vmem>>, vector<1x128x128xf32>
    %get3A_30 = vector.shape_cast %get3A_29 : vector<1x128x128xf32> to vector<128x128xf32>
    %get3A_31 = arith.constant 0 : index
    %get3A_32 = arith.constant 0 : index
    %get3A_33 = vector.load %arg8[%get3A_31, %get3A_32] : memref<768x128xf32, #tpu.memory_space<vmem>>, vector<768x128xf32>
    %dot_general3A = arith.constant dense<0.000000e+00> : vector<128x768xf32>
    %dot_general3A_34 = tpu.matmul %get3A_30, %get3A_33, %dot_general3A {dimension_numbers = #tpu.dot_dimension_numbers<[1], [1], [0], [0], [0, 0, 1, 0], [], []>, transpose_lhs_hint = false} : vector<128x128xf32>, vector<768x128xf32>, vector<128x768xf32> -> vector<128x768xf32>
    %get3A_35 = arith.constant 0 : index
    %get3A_36 = arith.constant 0 : index
    %get3A_37 = vector.load %arg9[%get3A_35, %get3A_36] : memref<1x768xf32, #tpu.memory_space<vmem>>, vector<1x768xf32>
    %add3A_38 = vector.broadcast %get3A_37 : vector<1x768xf32> to vector<128x768xf32>
    %add3A_39 = arith.addf %dot_general3A_34, %add3A_38 : vector<128x768xf32>
    %get3A_40 = arith.constant 0 : index
    %get3A_41 = arith.constant 0 : index
    %get3A_42 = arith.constant 0 : index
    %get3A_43 = vector.load %arg4[%get3A_40, %get3A_41, %get3A_42] : memref<1x128x768xf32, #tpu.memory_space<vmem>>, vector<1x128x768xf32>
    %get3A_44 = vector.shape_cast %get3A_43 : vector<1x128x768xf32> to vector<128x768xf32>
    %mul3A = arith.mulf %add3A_39, %get3A_44 : vector<128x768xf32>
    %broadcast_in_dim3A = arith.constant 0.000000e+00 : f32
    %broadcast_in_dim3A_45 = vector.broadcast %broadcast_in_dim3A : f32 to vector<520x768xf32>
    %concatenate3A = tpu.concatenate %mul3A, %broadcast_in_dim3A_45 in 0 : vector<128x768xf32>, vector<520x768xf32> -> vector<648x768xf32>
    %get3A_46 = arith.constant 0 : index
    %get3A_47 = arith.constant 0 : index
    %get3A_48 = arith.constant 0 : index
    %get3A_49 = vector.load %arg3[%get3A_46, %get3A_47, %get3A_48] : memref<1x648x768xf32, #tpu.memory_space<vmem>>, vector<1x648x768xf32>
    %get3A_50 = vector.shape_cast %get3A_49 : vector<1x648x768xf32> to vector<648x768xf32>
    %roll3A = tpu.dynamic_rotate %concatenate3A by %add3A_24 dim 0 : vector<648x768xf32>, i32 -> vector<648x768xf32>
    %add3A_51 = arith.addf %get3A_50, %roll3A : vector<648x768xf32>
    %get3A_52 = arith.constant 0 : index
    %get3A_53 = arith.constant 0 : index
    %get3A_54 = vector.load %arg7[%get3A_52, %get3A_53] : memref<1024x768xf32, #tpu.memory_space<vmem>>, vector<648x768xf32>
    %get3A_55 = arith.index_cast %add3A_24 : i32 to index
    %get3A_56 = arith.constant 0 : index
    %get3A_57 = vector.load %arg7[%get3A_55, %get3A_56] : memref<1024x768xf32, #tpu.memory_space<vmem>>, vector<1x768xf32>
    %sub3A = arith.constant 1 : i32
    %sub3A_58 = arith.subi %reduce_sum3A_23, %sub3A : i32
    %lt3A = arith.constant 0 : i32
    %lt3A_59 = arith.cmpi slt, %sub3A_58, %lt3A : i32
    %add3A_60 = arith.constant 648 : i32
    %add3A_61 = arith.addi %sub3A_58, %add3A_60 : i32
    %select_n3A = arith.select %lt3A_59, %add3A_61, %sub3A_58 : i32
    %roll3A_62 = tpu.dynamic_rotate %get3A_54 by %select_n3A dim 0 : vector<648x768xf32>, i32 -> vector<648x768xf32>
    %iota3A = tpu.iota {dimensions = array<i32: 0>} : vector<648x1xi32>
    %lt3A_63 = vector.broadcast %add3A_24 : i32 to vector<648x1xi32>
    %lt3A_64 = arith.cmpi slt, %iota3A, %lt3A_63 : vector<648x1xi32>
    %lt3A_65 = vector.broadcast %add3A_25 : i32 to vector<648x1xi32>
    %lt3A_66 = arith.cmpi slt, %iota3A, %lt3A_65 : vector<648x1xi32>
    %broadcast_in_dim3A_67 = vector.shape_cast %lt3A_66 : vector<648x1xi1> to vector<648x1xi1>
    %broadcast_in_dim3A_68 = vector.broadcast %broadcast_in_dim3A_67 : vector<648x1xi1> to vector<648x768xi1>
    %broadcast_in_dim3A_69 = vector.shape_cast %get3A_57 : vector<1x768xf32> to vector<1x768xf32>
    %broadcast_in_dim3A_70 = vector.broadcast %broadcast_in_dim3A_69 : vector<1x768xf32> to vector<648x768xf32>
    %select_n3A_71 = arith.select %broadcast_in_dim3A_68, %broadcast_in_dim3A_70, %roll3A_62 : vector<648x768xi1>, vector<648x768xf32>
    %broadcast_in_dim3A_72 = vector.shape_cast %lt3A_64 : vector<648x1xi1> to vector<648x1xi1>
    %broadcast_in_dim3A_73 = vector.broadcast %broadcast_in_dim3A_72 : vector<648x1xi1> to vector<648x768xi1>
    %select_n3A_74 = arith.select %broadcast_in_dim3A_73, %get3A_54, %select_n3A_71 : vector<648x768xi1>, vector<648x768xf32>
    %add3A_75 = arith.addf %add3A_51, %select_n3A_74 : vector<648x768xf32>
    %get3A_76 = arith.index_cast %arg0 : i32 to index
    %get3A_77 = arith.constant 0 : index
    %get3A_78 = vector.load %arg6[%get3A_76, %get3A_77] : memref<16x128xf32, #tpu.memory_space<vmem>>, vector<1x128xf32>
    %get3A_79 = arith.constant 0 : index
    %get3A_80 = arith.constant 0 : index
    %get3A_81 = vector.load %arg10[%get3A_79, %get3A_80] : memref<768x128xf32, #tpu.memory_space<vmem>>, vector<768x128xf32>
    %dot_general3A_82 = arith.constant dense<0.000000e+00> : vector<1x768xf32>
    %dot_general3A_83 = tpu.matmul %get3A_78, %get3A_81, %dot_general3A_82 {dimension_numbers = #tpu.dot_dimension_numbers<[1], [1], [0], [0], [0, 0, 1, 0], [], []>, transpose_lhs_hint = false} : vector<1x128xf32>, vector<768x128xf32>, vector<1x768xf32> -> vector<1x768xf32>
    %get3A_84 = arith.constant 0 : index
    %get3A_85 = arith.constant 0 : index
    %get3A_86 = vector.load %arg11[%get3A_84, %get3A_85] : memref<1x768xf32, #tpu.memory_space<vmem>>, vector<1x768xf32>
    %add3A_87 = arith.addf %dot_general3A_83, %get3A_86 : vector<1x768xf32>
    %eq3A = arith.constant 1 : i32
    %eq3A_88 = vector.broadcast %eq3A : i32 to vector<648x1xi32>
    %eq3A_89 = arith.cmpi eq, %iota3A, %eq3A_88 : vector<648x1xi32>
    %jit3A = arith.constant 1.000000e+00 : f32
    %jit3A_90 = arith.constant 0.000000e+00 : f32
    %broadcast_in_dim3A_91 = vector.broadcast %jit3A : f32 to vector<648x1xf32>
    %broadcast_in_dim3A_92 = vector.broadcast %jit3A_90 : f32 to vector<648x1xf32>
    %select_n3A_93 = arith.select %eq3A_89, %broadcast_in_dim3A_91, %broadcast_in_dim3A_92 : vector<648x1xi1>, vector<648x1xf32>
    %mul3A_94 = vector.broadcast %select_n3A_93 : vector<648x1xf32> to vector<648x768xf32>
    %mul3A_95 = vector.broadcast %add3A_87 : vector<1x768xf32> to vector<648x768xf32>
    %mul3A_96 = arith.mulf %mul3A_94, %mul3A_95 : vector<648x768xf32>
    %add3A_97 = arith.addf %add3A_75, %mul3A_96 : vector<648x768xf32>
    %ge3A = arith.constant 3 : i32
    %ge3A_98 = vector.broadcast %ge3A : i32 to vector<648x1xi32>
    %ge3A_99 = arith.cmpi sge, %iota3A, %ge3A_98 : vector<648x1xi32>
    %lt3A_100 = vector.broadcast %add3A_24 : i32 to vector<648x1xi32>
    %lt3A_101 = arith.cmpi slt, %iota3A, %lt3A_100 : vector<648x1xi32>
    %and3A = arith.andi %ge3A_99, %lt3A_101 : vector<648x1xi1>
    %convert_element_type3A_102 = arith.extui %and3A : vector<648x1xi1> to vector<648x1xi32>
    %convert_element_type3A_103 = arith.sitofp %convert_element_type3A_102 : vector<648x1xi32> to vector<648x1xf32>
    %ge3A_104 = vector.broadcast %add3A_24 : i32 to vector<648x1xi32>
    %ge3A_105 = arith.cmpi sge, %iota3A, %ge3A_104 : vector<648x1xi32>
    %le3A = vector.broadcast %add3A_25 : i32 to vector<648x1xi32>
    %le3A_106 = arith.cmpi sle, %iota3A, %le3A : vector<648x1xi32>
    %and3A_107 = arith.andi %ge3A_105, %le3A_106 : vector<648x1xi1>
    %convert_element_type3A_108 = arith.extui %and3A_107 : vector<648x1xi1> to vector<648x1xi32>
    %convert_element_type3A_109 = arith.sitofp %convert_element_type3A_108 : vector<648x1xi32> to vector<648x1xf32>
    %get3A_110 = arith.constant 0 : index
    %get3A_111 = arith.constant 0 : index
    %get3A_112 = vector.load %arg12[%get3A_110, %get3A_111] : memref<3x768xf32, #tpu.memory_space<vmem>>, vector<3x768xf32>
    %slice3A_113 = vector.extract_strided_slice %get3A_112 {offsets = [0, 0], sizes = [1, 768], strides = [1, 1]} : vector<3x768xf32> to vector<1x768xf32>
    %add3A_114 = vector.broadcast %slice3A_113 : vector<1x768xf32> to vector<648x768xf32>
    %add3A_115 = arith.addf %add3A_97, %add3A_114 : vector<648x768xf32>
    %slice3A_116 = vector.extract_strided_slice %get3A_112 {offsets = [1, 0], sizes = [1, 768], strides = [1, 1]} : vector<3x768xf32> to vector<1x768xf32>
    %slice3A_117 = vector.extract_strided_slice %get3A_112 {offsets = [0, 0], sizes = [1, 768], strides = [1, 1]} : vector<3x768xf32> to vector<1x768xf32>
    %sub3A_118 = arith.subf %slice3A_116, %slice3A_117 : vector<1x768xf32>
    %mul3A_119 = vector.broadcast %convert_element_type3A_103 : vector<648x1xf32> to vector<648x768xf32>
    %mul3A_120 = vector.broadcast %sub3A_118 : vector<1x768xf32> to vector<648x768xf32>
    %mul3A_121 = arith.mulf %mul3A_119, %mul3A_120 : vector<648x768xf32>
    %add3A_122 = arith.addf %add3A_115, %mul3A_121 : vector<648x768xf32>
    %slice3A_123 = vector.extract_strided_slice %get3A_112 {offsets = [2, 0], sizes = [1, 768], strides = [1, 1]} : vector<3x768xf32> to vector<1x768xf32>
    %slice3A_124 = vector.extract_strided_slice %get3A_112 {offsets = [0, 0], sizes = [1, 768], strides = [1, 1]} : vector<3x768xf32> to vector<1x768xf32>
    %sub3A_125 = arith.subf %slice3A_123, %slice3A_124 : vector<1x768xf32>
    %mul3A_126 = vector.broadcast %convert_element_type3A_109 : vector<648x1xf32> to vector<648x768xf32>
    %mul3A_127 = vector.broadcast %sub3A_125 : vector<1x768xf32> to vector<648x768xf32>
    %mul3A_128 = arith.mulf %mul3A_126, %mul3A_127 : vector<648x768xf32>
    %add3A_129 = arith.addf %add3A_122, %mul3A_128 : vector<648x768xf32>
    %reduce_sum3A_130 = arith.constant dense<0.000000e+00> : vector<648xf32>
    %reduce_sum3A_131 = vector.multi_reduction <add>, %add3A_129, %reduce_sum3A_130 [1] : vector<648x768xf32> to vector<648xf32>
    %broadcast_in_dim3A_132 = vector.shape_cast %reduce_sum3A_131 : vector<648xf32> to vector<648x1xf32>
    %div3A = arith.constant 7.680000e+02 : f32
    %div3A_133 = vector.broadcast %div3A : f32 to vector<648x1xf32>
    %div3A_134 = arith.divf %broadcast_in_dim3A_132, %div3A_133 : vector<648x1xf32>
    %sub3A_135 = vector.broadcast %div3A_134 : vector<648x1xf32> to vector<648x768xf32>
    %sub3A_136 = arith.subf %add3A_129, %sub3A_135 : vector<648x768xf32>
    %integer_pow3A = arith.mulf %sub3A_136, %sub3A_136 : vector<648x768xf32>
    %reduce_sum3A_137 = arith.constant dense<0.000000e+00> : vector<648xf32>
    %reduce_sum3A_138 = vector.multi_reduction <add>, %integer_pow3A, %reduce_sum3A_137 [1] : vector<648x768xf32> to vector<648xf32>
    %broadcast_in_dim3A_139 = vector.shape_cast %reduce_sum3A_138 : vector<648xf32> to vector<648x1xf32>
    %div3A_140 = arith.constant 7.680000e+02 : f32
    %div3A_141 = vector.broadcast %div3A_140 : f32 to vector<648x1xf32>
    %div3A_142 = arith.divf %broadcast_in_dim3A_139, %div3A_141 : vector<648x1xf32>
    %sub3A_143 = vector.broadcast %div3A_134 : vector<648x1xf32> to vector<648x768xf32>
    %sub3A_144 = arith.subf %add3A_129, %sub3A_143 : vector<648x768xf32>
    %add3A_145 = arith.constant 9.99999996E-13 : f32
    %add3A_146 = vector.broadcast %add3A_145 : f32 to vector<648x1xf32>
    %add3A_147 = arith.addf %div3A_142, %add3A_146 : vector<648x1xf32>
    %rsqrt3A = math.rsqrt %add3A_147 : vector<648x1xf32>
    %mul3A_148 = vector.broadcast %rsqrt3A : vector<648x1xf32> to vector<648x768xf32>
    %mul3A_149 = arith.mulf %sub3A_144, %mul3A_148 : vector<648x768xf32>
    %get3A_150 = arith.constant 0 : index
    %get3A_151 = arith.constant 0 : index
    %get3A_152 = vector.load %arg13[%get3A_150, %get3A_151] : memref<1x768xf32, #tpu.memory_space<vmem>>, vector<1x768xf32>
    %mul3A_153 = vector.broadcast %get3A_152 : vector<1x768xf32> to vector<648x768xf32>
    %mul3A_154 = arith.mulf %mul3A_149, %mul3A_153 : vector<648x768xf32>
    %get3A_155 = arith.constant 0 : index
    %get3A_156 = arith.constant 0 : index
    %get3A_157 = vector.load %arg14[%get3A_155, %get3A_156] : memref<1x768xf32, #tpu.memory_space<vmem>>, vector<1x768xf32>
    %add3A_158 = vector.broadcast %get3A_157 : vector<1x768xf32> to vector<648x768xf32>
    %add3A_159 = arith.addf %mul3A_154, %add3A_158 : vector<648x768xf32>
    %slice3A_160 = vector.extract_strided_slice %add3A_159 {offsets = [0, 0], sizes = [643, 768], strides = [1, 1]} : vector<648x768xf32> to vector<643x768xf32>
    %swap3A = arith.constant 0 : index
    %swap3A_161 = arith.constant 0 : index
    %swap3A_162 = arith.constant 0 : index
    %swap3A_163 = vector.load %arg15[%swap3A, %swap3A_161, %swap3A_162] : memref<1x643x768xf32, #tpu.memory_space<vmem>>, vector<1x643x768xf32>
    %swap3A_164 = vector.shape_cast %swap3A_163 : vector<1x643x768xf32> to vector<643x768xf32>
    %swap3A_165 = vector.shape_cast %slice3A_160 : vector<643x768xf32> to vector<1x643x768xf32>
    tpu.vector_store %arg15[%swap3A, %swap3A_161, %swap3A_162], %swap3A_165 {strides = array<i32>} : memref<1x643x768xf32, #tpu.memory_space<vmem>>, vector<1x643x768xf32>,
    %iota3A_166 = tpu.iota {dimensions = array<i32: 1>} : vector<1x643xi32>
    %le3A_167 = vector.broadcast %add3A_25 : i32 to vector<1x643xi32>
    %le3A_168 = arith.cmpi sle, %iota3A_166, %le3A_167 : vector<1x643xi32>
    %convert_element_type3A_169 = arith.extui %le3A_168 : vector<1x643xi1> to vector<1x643xi32>
    %swap3A_170 = arith.constant 0 : index
    %swap3A_171 = arith.constant 0 : index
    %swap3A_172 = arith.constant 0 : index
    %swap3A_173 = vector.load %arg16[%swap3A_170, %swap3A_171, %swap3A_172] : memref<1x1x643xi32, #tpu.memory_space<vmem>>, vector<1x1x643xi32>
    %swap3A_174 = vector.shape_cast %swap3A_173 : vector<1x1x643xi32> to vector<1x643xi32>
    %swap3A_175 = vector.shape_cast %convert_element_type3A_169 : vector<1x643xi32> to vector<1x1x643xi32>
    tpu.vector_store %arg16[%swap3A_170, %swap3A_171, %swap3A_172], %swap3A_175 {strides = array<i32>} : memref<1x1x643xi32, #tpu.memory_space<vmem>>, vector<1x1x643xi32>,
    return
  }
  func.func @transform_0(%arg0: i32) -> (i32, i32, i32) {
    %c0_i32 = arith.constant 0 : i32
    %c0_i32_0 = arith.constant 0 : i32
    %c0_i32_1 = arith.constant 0 : i32
    return %arg0, %c0_i32, %c0_i32_0 : i32, i32, i32
  }
  func.func @transform_1(%arg0: i32) -> (i32, i32, i32) {
    %c0_i32 = arith.constant 0 : i32
    %c0_i32_0 = arith.constant 0 : i32
    %c0_i32_1 = arith.constant 0 : i32
    return %arg0, %c0_i32, %c0_i32_0 : i32, i32, i32
  }
  func.func @transform_2(%arg0: i32) -> (i32, i32, i32) {
    %c0_i32 = arith.constant 0 : i32
    %c0_i32_0 = arith.constant 0 : i32
    %c0_i32_1 = arith.constant 0 : i32
    return %arg0, %c0_i32, %c0_i32_0 : i32, i32, i32
  }
  func.func @transform_3(%arg0: i32) -> (i32, i32, i32) {
    %c0_i32 = arith.constant 0 : i32
    %c0_i32_0 = arith.constant 0 : i32
    %c0_i32_1 = arith.constant 0 : i32
    return %arg0, %c0_i32, %c0_i32_0 : i32, i32, i32
  }
  func.func @transform_4(%arg0: i32) -> (i32, i32, i32) {
    %c0_i32 = arith.constant 0 : i32
    %c0_i32_0 = arith.constant 0 : i32
    %c0_i32_1 = arith.constant 0 : i32
    return %arg0, %c0_i32, %c0_i32_0 : i32, i32, i32
  }
  func.func @transform_5(%arg0: i32) -> (i32, i32) {
    %c0_i32 = arith.constant 0 : i32
    %c0_i32_0 = arith.constant 0 : i32
    %c0_i32_1 = arith.constant 0 : i32
    return %c0_i32, %c0_i32_0 : i32, i32
  }
  func.func @transform_6(%arg0: i32) -> (i32, i32) {
    %c0_i32 = arith.constant 0 : i32
    %c0_i32_0 = arith.constant 0 : i32
    %c0_i32_1 = arith.constant 0 : i32
    return %c0_i32, %c0_i32_0 : i32, i32
  }
  func.func @transform_7(%arg0: i32) -> (i32, i32) {
    %c0_i32 = arith.constant 0 : i32
    %c0_i32_0 = arith.constant 0 : i32
    %c0_i32_1 = arith.constant 0 : i32
    return %c0_i32, %c0_i32_0 : i32, i32
  }
  func.func @transform_8(%arg0: i32) -> (i32, i32) {
    %c0_i32 = arith.constant 0 : i32
    %c0_i32_0 = arith.constant 0 : i32
    %c0_i32_1 = arith.constant 0 : i32
    return %c0_i32, %c0_i32_0 : i32, i32
  }
  func.func @transform_9(%arg0: i32) -> (i32, i32) {
    %c0_i32 = arith.constant 0 : i32
    %c0_i32_0 = arith.constant 0 : i32
    %c0_i32_1 = arith.constant 0 : i32
    return %c0_i32, %c0_i32_0 : i32, i32
  }
  func.func @transform_10(%arg0: i32) -> (i32, i32) {
    %c0_i32 = arith.constant 0 : i32
    %c0_i32_0 = arith.constant 0 : i32
    %c0_i32_1 = arith.constant 0 : i32
    return %c0_i32, %c0_i32_0 : i32, i32
  }
  func.func @transform_11(%arg0: i32) -> (i32, i32) {
    %c0_i32 = arith.constant 0 : i32
    %c0_i32_0 = arith.constant 0 : i32
    %c0_i32_1 = arith.constant 0 : i32
    return %c0_i32, %c0_i32_0 : i32, i32
  }
  func.func @transform_12(%arg0: i32) -> (i32, i32) {
    %c0_i32 = arith.constant 0 : i32
    %c0_i32_0 = arith.constant 0 : i32
    %c0_i32_1 = arith.constant 0 : i32
    return %c0_i32, %c0_i32_0 : i32, i32
  }
  func.func @transform_13(%arg0: i32) -> (i32, i32) {
    %c0_i32 = arith.constant 0 : i32
    %c0_i32_0 = arith.constant 0 : i32
    %c0_i32_1 = arith.constant 0 : i32
    return %c0_i32, %c0_i32_0 : i32, i32
  }
  func.func @transform_14(%arg0: i32) -> (i32, i32, i32) {
    %c0_i32 = arith.constant 0 : i32
    %c0_i32_0 = arith.constant 0 : i32
    %c0_i32_1 = arith.constant 0 : i32
    return %arg0, %c0_i32, %c0_i32_0 : i32, i32, i32
  }
  func.func @transform_15(%arg0: i32) -> (i32, i32, i32) {
    %c0_i32 = arith.constant 0 : i32
    %c0_i32_0 = arith.constant 0 : i32
    %c0_i32_1 = arith.constant 0 : i32
    return %arg0, %c0_i32, %c0_i32_0 : i32, i32, i32
  }
}

</mosaic_0001>

<sc_bundles>
// kernel: kernel.4.cloned.1.call-start
scs
__scs_entry_jumppad:
0x0: {  	(pc) =	sbr.rel $0x88, $3  }
0x1: {  	(tag) =	ssettag $0x0;
	lr =	simm.s32 $0x1  }
0x2: {  	[smem:$0x3F92] =	sst lr;
	_ =	strace $0xD0000000  }
0x3: {  	_ = 	snop  }
0x4: {  	_ = 	snop  }
0x5: {  	_ = 	snop  }
0x6: {  	_ = 	snop  }
0x7: {  	_ = 	snop  }
__scs_overlays_trampoline_lowered:
0x8: {  	[smem:$0x3FA1] =	sst s0  }
0x9: {  	[smem:$0x3FA2] =	sst s1  }
0xa: {  	[smem:$0x3FA3] =	sst s2  }
0xb: {  	[smem:$0x3FA4] =	sst s3  }
0xc: {  	[smem:$0x3FA5] =	sst s4  }
0xd: {  	[smem:$0x3FA6] =	sst s5  }
0xe: {  	[smem:$0x3FA7] =	sst s6  }
0xf: {  	[smem:$0x3FA8] =	sst s7  }
0x10: {  	[smem:$0x3FA9] =	sst s8  }
0x11: {  	[smem:$0x3FAA] =	sst s9;
	s0 =	simm.s32 @!p0 $0x0  }
0x12: {  	s1 =	sld [smem:$0x3F90];
	s0 =	simm.s32 @p0 $0x1  }
0x13: {  	[smem:$0x3FAB] =	sst s0;
	s0 =	simm.s32 @!p1 $0x0  }
0x14: {  	s2 =	sld [smem:$0x3F8F];
	s0 =	simm.s32 @p1 $0x1  }
0x15: {  	[smem:$0x3FAC] =	sst s0;
	s0 =	simm.s32 @!p2 $0x0  }
0x16: {  	s3 =	sld [smem:$0x3FDB];
	s0 =	simm.s32 @p2 $0x1  }
0x17: {  	s4 =	simm.s32 $0x1BF5;
	[smem:$0x3FAE] =	sst s0  }
0x18: {  	s0 =	sld [smem:$0x3F91];
	_ =	swait.ge [sflag:s4], $0x0  }
0x19: {  	s7 =	sld [smem:$0x3F92]  }
0x1a: {  	s8 =	sadd.s32 $0xFFFFE003, lr  }
0x1b: {  	s9 =	sadd.s32 $0xFFFFFEF7, lr;
	s5 =	simm.s32 $0xFFFFFFFF;
	p2 =	slt.u32 s8, $0xFFFFF086  }
0x1c: {  	p1 =	slt.u32 s9, $0xF7A;
	s5 =	simm.s32 @!p2 $0x0  }
0x1d: {  	s5 =	simm.s32 @p1 $0x1;
	p0 =	seq.s32 s7, s2  }
0x1e: {  	s7 =	smul.u32 @!p0 $0xF7A, s2;
	p2 =	seq.s32 @!p0 s5, $0x0  }
0x1f: {  	s9 =	smul.u32 $0xF7A, s1;
	s8 =	simm.s32 @!p0 $0x1BF5;
	p2 =	por !p2, p0  }
0x20: {  	[sflag:s8] =	ssyncset.s32 @!p0 $0xFFFFF086;
	s6 =	sadd.s32 @!p0 s3, s7;
	s7 =	simm.s32 @!p0 $0x108  }
0x21: {  	s3 =	sadd.s32 s3, s9;
	s6 =	sadd.s32 @!p0 $0x88, s6;
	s7 =	simm.s32 @p2 $0x1082  }
0x22: {  	[simem:s7], [sflag:s8] =	dma.local @!p0 [hbm:s6], $0xF7A  }
0x23: {  	s9 =	sor.u32 $0xD0000000, s2;
	s6 =	simm.s32 $0x108;
	_ =	swait.ge @!p0 [sflag:s8], $0x0  }
0x24: {  	s3 =	sadd.s32 $0x88, s3;
	s6 =	simm.s32 @!p1 $0x1082;
	[sflag:s4] =	ssyncset.s32 $0xFFFFF086  }
0x25: {  	[simem:s6], [sflag:s4] =	dma.local [hbm:s3], $0xF7A  }
0x26: {  	[smem:$0x3F92] =	sst s1;
	(tag) =	ssettag s2;
	_ =	strace s9  }
0x27: {  	s1 =	sld [smem:$0x3FA2]  }
0x28: {  	s2 =	sld [smem:$0x3FA3]  }
0x29: {  	s4 =	sld [smem:$0x3FA5]  }
0x2a: {  	p0 =	seq.s32 s5, $0x0;
	s5 =	sld [smem:$0x3FA6]  }
0x2b: {  	s6 =	sld [smem:$0x3FA7]  }
0x2c: {  	s7 =	sld [smem:$0x3FA8]  }
0x2d: {  	s3 =	simm.s32 $0x108;
	s8 =	sld [smem:$0x3FA9]  }
0x2e: {  	s3 =	simm.s32 @!p0 $0x1082;
	s9 =	sld [smem:$0x3FAA]  }
0x2f: {  	lr =	sadd.s32 s0, s3;
	s0 =	sld [smem:$0x3FA1]  }
0x30: {  	s3 =	sld [smem:$0x3FA4]  }
0x31: {  	[smem:$0x3FAD] =	sst s10  }
0x32: {  	s10 =	sld [smem:$0x3FAB];
	_ =	sdelay $0x3  }
0x33: {  	p0 =	seq.s32 s10, $0x1;
	s10 =	sld [smem:$0x3FAD];
	_ =	sdelay $0x3  }
0x34: {  	[smem:$0x3FAD] =	sst s10  }
0x35: {  	s10 =	sld [smem:$0x3FAC];
	_ =	sdelay $0x3  }
0x36: {  	p1 =	seq.s32 s10, $0x1;
	s10 =	sld [smem:$0x3FAD];
	_ =	sdelay $0x3  }
0x37: {  	[smem:$0x3FAD] =	sst s10  }
0x38: {  	s10 =	sld [smem:$0x3FAE]  }
0x39: {  	_ = 	snop;
	(pc) =	sbr.ind lr, $3  }
0x3a: {  	_ = 	snop  }
0x3b: {  	_ = 	snop  }
0x3c: {  	p2 =	seq.s32 s10, $0x1;
	s10 =	sld [smem:$0x3FAD]  }
0x3d: {  	_ =	shalt  }
0x3e: {  	_ =	shalt  }
0x3f: {  	_ =	shalt  }
0x40: {  	_ =	shalt  }
0x41: {  	_ =	shalt  }
0x42: {  	_ =	shalt  }
0x43: {  	_ =	shalt  }
0x44: {  	_ =	shalt  }
0x45: {  	_ =	shalt  }
0x46: {  	_ =	shalt  }
0x47: {  	_ =	shalt  }
0x48: {  	_ =	shalt  }
0x49: {  	_ =	shalt  }
0x4a: {  	_ =	shalt  }
0x4b: {  	_ =	shalt  }
0x4c: {  	_ =	shalt  }
0x4d: {  	_ =	shalt  }
0x4e: {  	_ =	shalt  }
0x4f: {  	_ =	shalt  }
0x50: {  	_ =	shalt  }
0x51: {  	_ =	shalt  }
0x52: {  	_ =	shalt  }
0x53: {  	_ =	shalt  }
0x54: {  	_ =	shalt  }
0x55: {  	_ =	shalt  }
0x56: {  	_ =	shalt  }
0x57: {  	_ =	shalt  }
0x58: {  	_ =	shalt  }
0x59: {  	_ =	shalt  }
0x5a: {  	_ =	shalt  }
0x5b: {  	_ =	shalt  }
0x5c: {  	_ =	shalt  }
0x5d: {  	_ =	shalt  }
0x5e: {  	_ =	shalt  }
0x5f: {  	_ =	shalt  }
0x60: {  	_ =	shalt  }
0x61: {  	_ =	shalt  }
0x62: {  	_ =	shalt  }
0x63: {  	_ =	shalt  }
0x64: {  	_ =	shalt  }
0x65: {  	_ =	shalt  }
0x66: {  	_ =	shalt  }
0x67: {  	_ =	shalt  }
0x68: {  	_ =	shalt  }
0x69: {  	_ =	shalt  }
0x6a: {  	_ =	shalt  }
0x6b: {  	_ =	shalt  }
0x6c: {  	_ =	shalt  }
0x6d: {  	_ =	shalt  }
0x6e: {  	_ =	shalt  }
0x6f: {  	_ =	shalt  }
0x70: {  	_ =	shalt  }
0x71: {  	_ =	shalt  }
0x72: {  	_ =	shalt  }
0x73: {  	_ =	shalt  }
0x74: {  	_ =	shalt  }
0x75: {  	_ =	shalt  }
0x76: {  	_ =	shalt  }
0x77: {  	_ =	shalt  }
0x78: {  	_ =	shalt  }
0x79: {  	_ =	shalt  }
0x7a: {  	_ =	shalt  }
0x7b: {  	_ =	shalt  }
0x7c: {  	_ =	shalt  }
0x7d: {  	_ =	shalt  }
0x7e: {  	_ =	shalt  }
0x7f: {  	_ =	shalt  }
0x80: {  	_ =	shalt  }
0x81: {  	_ =	shalt  }
0x82: {  	_ =	shalt  }
0x83: {  	_ =	shalt  }
0x84: {  	_ =	shalt  }
0x85: {  	_ =	shalt  }
0x86: {  	_ =	shalt  }
0x87: {  	_ =	shalt  }
.Lfunc_end0:
.L_simem_size_0:
called_computation_lowered:
.L_overlay_start_0:
0x88: {  	s2 =	sld [smem:$0x3FD9]  }
0x89: {  	s3 =	sld [smem:$0x3FFE];
	_ =	sdelay $0x1  }
0x8a: {  	s1 =	srdreg.scid  }
0x8b: {  	s0 =	sand.u32 $0x1, s1  }
0x8c: {  	s30 =	sshll.u32 s0, $0xA;
	s2 =	sadd.s32 s3, s2  }
0x8d: {  	s2 =	sadd.s32 s2, s30  }
0x8e: {  	[smem:$0x3FB9] =	sst s2  }
0x8f: {  	_ = 	snop  }
0x90: {  	s31 =	sld [smem:$0x3FC9]  }
0x91: {  	s4 =	sld [smem:$0x3FC8]  }
0x92: {  	s5 =	sld [smem:$0x3FC7]  }
0x93: {  	s2 =	sld [smem:$0x3FC6]  }
0x94: {  	s6 =	sld [smem:$0x3FD0]  }
0x95: {  	s7 =	sld [smem:$0x3FC5]  }
0x96: {  	s8 =	sld [smem:$0x3FC4]  }
0x97: {  	s10 =	simm.s32 $0xA;
	s11 =	simm.s32 $0x10;
	s9 =	sld [smem:$0x3FC3]  }
0x98: {  	[smem:s11], [sflag:s10] =	dma.local [hbm:s6], $0x1  }
0x99: {  	_ =	swait.eq [sflag:s10], $0x1  }
0x9a: {  	[sflag:s10] =	ssyncset.done $0x0  }
0x9b: {  	s16 =	sld [smem:$0x10];
	[sflag:s10] =	ssyncadd.s32 $0xFFFFFFFF  }
0x9c: {  	s17 =	sld [smem:$0x11];
	(tm) =	ssettm $0x1  }
0x9d: {  	s18 =	sld [smem:$0x3FFB];
	_ =	sdelay $0x3  }
0x9e: {  	_ =	strace s18  }
0x9f: {  	s11 =	sld [smem:$0x3FFC];
	_ =	sdelay $0x3  }
0xa0: {  	_ =	strace s11  }
0xa1: {  	s11 =	sld [smem:$0x3FFD];
	_ =	sdelay $0x3  }
0xa2: {  	_ =	strace s11  }
0xa3: {  	_ =	strace $0x8FFFFFFF  }
0xa4: {  	s19 =	sld [smem:$0x3FDB];
	_ =	sdelay $0x1  }
0xa5: {  	s12 =	simm.s32 $_scs_section_size  }
0xa6: {  	s13 =	simm.s32 $_size__tile_overlayer_lowered;
	s14 =	simm.s32 $_tile_overlayer_lowered  }
0xa7: {  	s22 =	simm.s32 $0x1BFF;
	s21 =	sshll.u32 s14, $0x1;
	s11 =	sadd.s32 s12, s19  }
0xa8: {  	s15 =	simm.s32 $0x0;
	s20 =	sshll.u32 s13, $0x1;
	s13 =	sadd.s32 s21, s11  }
0xa9: {  	[timem:s15], [sflag:s22] =	dma.local [hbm:s13], s20  }
0xaa: {  	_ =	swait.ge [sflag:s22], s20  }
0xab: {  	s12 =	ssub.s32 $0x0, s20;
	[sflag:s22] =	ssyncset.done $0x0  }
0xac: {  	[sflag:s22] =	ssyncadd.s32 s12;
	_ =	sdelay $0x1  }
0xad: {  	s23 =	simm.s32 $0x1B8B  }
0xae: {  	_ =	swait.ge [sflag:s23], $0x1  }
0xaf: {  	[sflag:s23] =	ssyncset.done $0x0  }
0xb0: {  	s25 =	simm.s32 $0x1B8E;
	s24 =	sld [smem:$0x3FFE];
	[sflag:s23] =	ssyncadd.s32 $0xFFFFFFFF  }
0xb1: {  	s26 =	simm.s32 $execute0_lowered;
	[smem:$0x3FD2] =	sst s25  }
0xb2: {  	s13 =	sshll.u32 s26, $0x1;
	_ =	strace $0x80000046;
	[dreg:$0x1] =	wrdreg $0xFFFFFFFF  }
0xb3: {  	s28 =	simm.s32 $_size_execute0_lowered;
	s11 =	sadd.s32 s11, s13;
	[dreg:$0x0] =	wrdreg $0x0  }
0xb4: {  	s13 =	sshll.u32 s28, $0x1;
	[dreg:$0x2] =	wrdreg s11  }
0xb5: {  	[dreg:$0x3] =	wrdreg s13  }
0xb6: {  	[dreg:$0x4] =	wrdreg $0xC0  }
0xb7: {  	_ =	task [dreg:s15], $0x5FFFF  }
0xb8: {  	[dreg:$0x1] =	wrdreg $0xFFFFFFFF  }
0xb9: {  	[dreg:$0x0] =	wrdreg $0x60  }
0xba: {  	[dreg:$0x2] =	wrdreg s4  }
0xbb: {  	[dreg:$0x3] =	wrdreg s5  }
0xbc: {  	[dreg:$0x4] =	wrdreg s31  }
0xbd: {  	[dreg:$0x5] =	wrdreg s7  }
0xbe: {  	[dreg:$0x6] =	wrdreg s8  }
0xbf: {  	[dreg:$0x7] =	wrdreg s9  }
0xc0: {  	[dreg:$0x8] =	wrdreg s2  }
0xc1: {  	[dreg:$0x9] =	wrdreg s24  }
0xc2: {  	[dreg:$0xa] =	wrdreg s16  }
0xc3: {  	[dreg:$0xb] =	wrdreg s17  }
0xc4: {  	[dreg:$0xc] =	wrdreg $0x9  }
0xc5: {  	_ =	task.clear_ibuf [dreg:s15], $0xDFFFF;
	_ =	strace $0x90000046  }
0xc6: {  	s29 =	simm.s32 $0x9;
	_ =	strace $0x80000048  }
0xc7: {  	_ =	swait.ge [sflag:s29], $0x1  }
0xc8: {  	[sflag:s29] =	ssyncadd.s32 $0xFFFFFFFF  }
0xc9: {  	_ =	strace $0x90000048  }
0xca: {  	_ =	sfence  }
0xcb: {  	s30 =	sld [smem:$0x0];
	_ =	sdelay $0x2  }
0xcc: {  	s31 =	sshll.u32 s1, $0xD;
	s1 =	sshrl.u32 s1, $0x2  }
0xcd: {  	s3 =	sand.u32 $0x4000, s31;
	s1 =	sadd.s32 s1, s30  }
0xce: {  	s0 =	sor.u32 s3, s0;
	s1 =	sshll.u32 s1, $0x11  }
0xcf: {  	s0 =	sor.u32 s1, s0  }
0xd0: {  	s0 =	sadd.s32 $0x8F2B, s0  }
0xd1: {  	[sflag:s0] =	ssyncadd.remote.s32 $0x1  }
0xd2: {  	_ =	sfence.sel $0xFFFF  }
0xd3: {  	[dreg:$0x0] =	wrdreg $0xFFFFFFFF;
	(pc) =	sbr.abs _section_cstart, $3  }
0xd4: {  	[dreg:$0x1] =	wrdreg $0xFFFFFFFF  }
0xd5: {  	_ =	task.clear_ibuf [dreg:s15], $0x2FFFF;
	_ =	strace $0x9FFFFFFF  }
0xd6: {  	(tm) =	ssettm $0x7FFFFFFF  }
0xd7: {  	_ =	shalt  }
tec
execute0_lowered:
.L_overlay_start_1:
0x0: {  	(tag) =	ssettag $0x1  }
0x1: {  	s4 =	rddreg [dreg:$0x0]  }
0x2: {  	s6 =	rddreg [dreg:$0x1]  }
0x3: {  	s2 =	rddreg [dreg:$0x7];
	s1 =	simm.s32 $0x0  }
0x4: {  	s18 =	stileid.u32;
	s3 =	srdreg.scid;
	s29 =	simm.s32 $0x280  }
0x5: {  	[smem:$0x7FF] =	sst s1;
	s11 =	sadd.s32 $0xA400, s2;
	s0 =	sand.u32 $0x1, s18  }
0x6: {  	s3 =	sand.u32 $0x1, s3;
	s9 =	sshrl.u32 s18, $0x1;
	s5 =	sshll.u32 s0, $0xA  }
0x7: {  	s8 =	sshll.u32 s3, $0x3;
	s28 =	ssub.s32 $0x2, s3;
	s31 =	smul.u32 $0x150, s0  }
0x8: {  	s30 =	sshll.u32 s3, $0xC;
	s19 =	smul.u32 $0x3F000, s0;
	s20 =	sshll.u32 s3, $0xA  }
0x9: {  	p0 =	seq.s32 s0, $0x1;
	s3 =	sor.u32 s18, s3;
	s7 =	sadd.s32 s5, s2  }
0xa: {  	s12 =	sor.u32 s9, s8;
	s9 =	sshll.u32 s9, $0x7;
	s10 =	sshrl.u32 s28, $0x1  }
0xb: {  	p2 =	seq.s32 @!p0 s0, $0x0;
	p1 =	sne.s32 s3, $0x0;
	s3 =	simm.s32 $0x580  }
0xc: {  	s8 =	sor.u32 s30, s9;
	s13 =	smul.u32 $0x79800, s12;
	s5 =	ssub.s32 s28, s10  }
0xd: {  	s21 =	sadd.s32 $0x30, s31;
	s24 =	sadd.s32 $0x60, s31;
	[smem:$0x7FC] =	sst s31  }
0xe: {  	s26 =	sadd.s32 $0x90, s31;
	s28 =	sadd.s32 $0xC0, s31;
	[dreg:$0x17] =	wrdreg s21  }
0xf: {  	s30 =	sadd.s32 $0xF0, s31;
	p2 =	por p0, !p2;
	[dreg:$0x1d] =	wrdreg s24  }
0x10: {  	s8 =	sshrl.u32 s8, $0x3;
	s23 =	sshrl.u32 s21, $0x3;
	[dreg:$0x1e] =	wrdreg s26  }
0x11: {  	s14 =	sshrl.u32 s24, $0x3;
	s15 =	sshrl.u32 s26, $0x3;
	[dreg:$0x1f] =	wrdreg s28  }
0x12: {  	s17 =	sshrl.u32 s28, $0x3;
	[smem:$0x7FD] =	sst s30;
	s10 =	smul.u32 $0x1800, s23  }
0x13: {  	s31 =	sshrl.u32 s30, $0x3;
	s30 =	smax.u32 s5, $0x1;
	s14 =	smul.u32 $0x1800, s14  }
0x14: {  	s4 =	sadd.s32 s4, s8;
	s8 =	sor.u32 s20, s9;
	s15 =	smul.u32 $0x1800, s15  }
0x15: {  	s22 =	sadd.s32 s19, s13;
	s17 =	smul.u32 $0x1800, s17;
	s23 =	rddreg [dreg:$0x4]  }
0x16: {  	s20 =	smul.u32 $0xC000, s0;
	[dreg:$0xb] =	wrdreg s4;
	s8 =	sshrl.u32 s8, $0x3  }
0x17: {  	s9 =	sshrl.u32 s22, $0x3;
	s22 =	rddreg [dreg:$0x8];
	s6 =	sadd.s32 s6, s8  }
0x18: {  	s25 =	sadd.s32 s11, s9;
	s10 =	sadd.s32 s13, s10;
	s14 =	sadd.s32 s13, s14  }
0x19: {  	s15 =	sadd.s32 s13, s15;
	s17 =	sadd.s32 s13, s17;
	[dreg:$0xc] =	wrdreg s6  }
0x1a: {  	s9 =	sshll.u32 s0, $0x6;
	[dreg:$0xd] =	wrdreg s25;
	s16 =	sshrl.u32 s10, $0x3  }
0x1b: {  	s14 =	sshrl.u32 s14, $0x3;
	s2 =	sshrl.u32 s15, $0x3;
	s4 =	sshrl.u32 s17, $0x3  }
0x1c: {  	s10 =	smul.u32 $0x18000, s12;
	s19 =	sor.u32 $0x20, s9;
	s16 =	sadd.s32 s11, s16  }
0x1d: {  	s12 =	sshll.u32 s12, $0xB;
	[dreg:$0xe] =	wrdreg s16;
	s16 =	smul.u32 $0x1800, s31  }
0x1e: {  	s14 =	sadd.s32 s11, s14;
	s6 =	sadd.s32 s11, s4;
	[dreg:$0x14] =	wrdreg s19  }
0x1f: {  	[dreg:$0xf] =	wrdreg s14;
	s14 =	sadd.s32 s11, s2;
	s8 =	sadd.s32 s13, s16  }
0x20: {  	[dreg:$0x10] =	wrdreg s14;
	s16 =	sshrl.u32 s19, $0x3;
	s14 =	sshrl.u32 s8, $0x3  }
0x21: {  	[dreg:$0x11] =	wrdreg s6;
	s16 =	smul.u32 $0x1800, s16;
	s14 =	sadd.s32 s11, s14  }
0x22: {  	s13 =	sshrl.u32 s13, $0x3;
	[dreg:$0x13] =	wrdreg s14;
	s14 =	sadd.s32 s20, s10  }
0x23: {  	s19 =	rddreg [dreg:$0x3];
	s15 =	sadd.s32 s10, s16;
	s21 =	sshrl.u32 s14, $0x3  }
0x24: {  	s11 =	sadd.s32 s11, s13;
	s24 =	sshrl.u32 s15, $0x3;
	s13 =	sadd.s32 s22, s21  }
0x25: {  	s7 =	sadd.s32 s12, s7;
	[dreg:$0x15] =	wrdreg s13;
	s13 =	sadd.s32 s22, s24  }
0x26: {  	s12 =	simm.s32 $0x600;
	s25 =	sadd.s32 $0x6C00, s11;
	[dreg:$0x16] =	wrdreg s13  }
0x27: {  	s26 =	sadd.s32 $0xEA00, s11;
	_ =	strace $0x80000047;
	[dreg:$0x18] =	wrdreg s25  }
0x28: {  	s28 =	sadd.s32 $0x2400, s7;
	s31 =	sor.u32 $0x580, s9;
	[dreg:$0x19] =	wrdreg s26  }
0x29: {  	v0 =	vimm.s32 $0x0;
	v1 =	vlaneseq.u32;
	s6 =	simm.s32 $0x3600;
	s0 =	sadd.s32 $0x200, s19;
	[dreg:$0x1a] =	wrdreg s28  }
0x2a: {  	vm0 =	vmmov $0xffff;
	vm1 =	vcmask $0x3F08;
	vm2 =	vmmov $0x1;
	s8 =	simm.s32 $0x3E00;
	s16 =	simm.s32 $0x0;
	[dreg:$0x1b] =	wrdreg s30  }
0x2b: {  	v2 =	vmul.u32 $0x2, v1;
	v3 =	vand.u32 $0x7, v1;
	v4 =	vshrl.u32 v1, $0x3;
	s24 =	sadd.s32 $0x100, s19;
	s22 =	sadd.s32 $0x100, s23;
	[dreg:$0x12] =	wrdreg s9  }
0x2c: {  	v5 =	vor.u32 $0x8, v1;
	v4 =	vmul.u32 $0x8, v4;
	vm3 =	vmmov @!p0 $0xffff;
	[dreg:$0x1c] =	wrdreg s31;
	s25 =	sadd.s32 $0x200, s23;
	s9 =	simm.s32 $0x4600  }
.LBB2_1:
0x2d: {  	s15 =	rddreg [dreg:$0xb]  }
0x2e: {  	s4 =	simm.s32 $0x80;
	s17 =	simm.s32 $0x400;
	s2 =	simm.s32 $0x8  }
0x2f: {  	[tilespmem:s1], [sflag:$0x8] =	stream.strided.gather [hbm4b:s15+s4], $0x200, s17, s4, $0x38;
	[tilespmem:$0x1DE80] =	vst v63  }
0x30: {  	_ =	swait.ge [sflag:s2], $0x200  }
0x31: {  	[sflag:s2] =	ssyncset.done $0x0  }
0x32: {  	s31 =	simm.s32 $0x200;
	s30 =	rddreg [dreg:$0xc];
	[sflag:s2] =	ssyncadd.s32 $0xFFFFFE00  }
0x33: {  	[tilespmem:s31], [sflag:$0x8] =	stream.linear.gather [hbm4b:s30+s1], $0x80, $0x38;
	[tilespmem:$0x1DE80] =	vst v63  }
0x34: {  	_ =	swait.ge [sflag:s2], $0x80  }
0x35: {  	[sflag:s2] =	ssyncset.done $0x0  }
0x36: {  	[sflag:s2] =	ssyncadd.s32 $0xFFFFFF80  }
0x37: {  	[tilespmem:$0x280] =	vst v0  }
0x38: {  	[tilespmem:$0x290] =	vst v0  }
0x39: {  	[tilespmem:$0x2A0] =	vst v0  }
0x3a: {  	[tilespmem:$0x2B0] =	vst v0  }
0x3b: {  	[tilespmem:$0x2C0] =	vst v0  }
0x3c: {  	[tilespmem:$0x2D0] =	vst v0  }
0x3d: {  	[tilespmem:$0x2E0] =	vst v0  }
0x3e: {  	[tilespmem:$0x2F0] =	vst v0  }
0x3f: {  	[tilespmem:$0x300] =	vst v0  }
0x40: {  	[tilespmem:$0x310] =	vst v0  }
0x41: {  	[tilespmem:$0x320] =	vst v0  }
0x42: {  	[tilespmem:$0x330] =	vst v0  }
0x43: {  	[tilespmem:$0x340] =	vst v0  }
0x44: {  	[tilespmem:$0x350] =	vst v0  }
0x45: {  	[tilespmem:$0x360] =	vst v0  }
0x46: {  	[tilespmem:$0x370] =	vst v0  }
0x47: {  	[tilespmem:$0x380] =	vst v0  }
0x48: {  	[tilespmem:$0x390] =	vst v0  }
0x49: {  	[tilespmem:$0x3A0] =	vst v0  }
0x4a: {  	[tilespmem:$0x3B0] =	vst v0  }
0x4b: {  	[tilespmem:$0x3C0] =	vst v0  }
0x4c: {  	[tilespmem:$0x3D0] =	vst v0  }
0x4d: {  	[tilespmem:$0x3E0] =	vst v0  }
0x4e: {  	[tilespmem:$0x3F0] =	vst v0  }
0x4f: {  	[tilespmem:$0x400] =	vst v0  }
0x50: {  	[tilespmem:$0x410] =	vst v0  }
0x51: {  	[tilespmem:$0x420] =	vst v0  }
0x52: {  	[tilespmem:$0x430] =	vst v0  }
0x53: {  	[tilespmem:$0x440] =	vst v0  }
0x54: {  	[tilespmem:$0x450] =	vst v0  }
0x55: {  	[tilespmem:$0x460] =	vst v0  }
0x56: {  	[tilespmem:$0x470] =	vst v0  }
0x57: {  	[tilespmem:$0x480] =	vst v0  }
0x58: {  	[tilespmem:$0x490] =	vst v0  }
0x59: {  	[tilespmem:$0x4A0] =	vst v0  }
0x5a: {  	[tilespmem:$0x4B0] =	vst v0  }
0x5b: {  	[tilespmem:$0x4C0] =	vst v0  }
0x5c: {  	[tilespmem:$0x4D0] =	vst v0  }
0x5d: {  	[tilespmem:$0x4E0] =	vst v0  }
0x5e: {  	[tilespmem:$0x4F0] =	vst v0  }
0x5f: {  	[tilespmem:$0x500] =	vst v0  }
0x60: {  	[tilespmem:$0x510] =	vst v0  }
0x61: {  	[tilespmem:$0x580] =	vst v0  }
0x62: {  	[tilespmem:$0x590] =	vst v0  }
0x63: {  	[tilespmem:$0x5A0] =	vst v0  }
0x64: {  	[tilespmem:$0x5B0] =	vst v0  }
0x65: {  	[tilespmem:$0x5C0] =	vst v0  }
0x66: {  	[tilespmem:$0x5D0] =	vst v0  }
0x67: {  	[tilespmem:$0x5E0] =	vst v0  }
0x68: {  	[tilespmem:$0x5F0] =	vst v0  }
0x69: {  	v6 =	vld [tilespmem:s1+$0x0];
	_ =	sdelay $0x3  }
0x6a: {  	v7 =	vmov s1  }
0x6b: {  	vm5 =	vne.s32 v7, v1;
	vm4 =	vgt.s32 v6, $0x0  }
0x6c: {  	vm4 =	vmand vm5, vm4  }
0x6d: {  	v7 =	vsel vm4, $0x1, v0  }
0x6e: {  	(xrf0) =	vadd.scan.msk.s32 $0xffff, v7;
	_ =	sdelay $0x2  }
0x6f: {  	v7 =	vmov s1  }
0x70: {  	v7 =	vadd.s32 $0x2, v7  }
0x71: {  	v7 =	vbroadcast v7, $0x0  }
0x72: {  	v8, _, _ =	vpop (xrf0)  }
0x73: {  	v7 =	vadd.s32 v8, v7;
	(v2sf) =	vpush v8, $0xF;
	_ =	sdelay $0x4  }
0x74: {  	s23 =	simm.s32 $0x10;
	[tilespmem:v7+s29+$0x0] =	vst.idx.msk vm4, v6  }
0x75: {  	s20 =	simm.s32 $0x0;
	s17 =	simm.s32 $0x20;
	s15 =	simm.s32 $0x10;
	v6 =	vld [tilespmem:s23+$0x0]  }
.LBB2_2:
0x76: {  	p3 =	sne.s32 s17, $0x1F0;
	_ =	sdelay $0x2  }
0x77: {  	v7 =	vmov s23;
	s23 =	smov.u32 s17  }
0x78: {  	vm5 =	vne.s32 v7, v1;
	vm4 =	vgt.s32 v6, $0x0  }
0x79: {  	vm4 =	vmand vm5, vm4  }
0x7a: {  	v7 =	vsel vm4, $0x1, v0  }
0x7b: {  	(xrf0) =	vadd.scan.msk.s32 $0xffff, v7  }
0x7c: {  	s31 =	spop (v2sf)  }
0x7d: {  	s20 =	sadd.s32 s20, s31  }
0x7e: {  	v7 =	vmov s20  }
0x7f: {  	v7 =	vadd.s32 $0x2, v7  }
0x80: {  	v7 =	vbroadcast v7, $0x0  }
0x81: {  	v8, _, _ =	vpop (xrf0)  }
0x82: {  	v7 =	vadd.s32 v8, v7;
	(v2sf) =	vpush v8, $0xF;
	_ =	sdelay $0x1  }
.Ltmp0:
0x83: {  	(pc) =	sbr.rel @p3 .LBB2_2-.Ltmp0, $3  }
0x84: {  	_ =	sdelay $0x1  }
0x85: {  	s15 =	sadd.s32 $0x10, s15;
	[tilespmem:v7+s29+$0x0] =	vst.idx.msk vm4, v6  }
0x86: {  	s17 =	sadd.s32 $0x10, s17;
	v6 =	vld [tilespmem:s15+$0x0]  }
0x87: {  	_ =	sdelay $0x2  }
0x88: {  	v7 =	vmov s23  }
0x89: {  	vm5 =	vne.s32 v7, v1;
	vm4 =	vgt.s32 v6, $0x0  }
0x8a: {  	vm4 =	vmand vm5, vm4  }
0x8b: {  	v7 =	vsel vm4, $0x1, v0  }
0x8c: {  	(xrf0) =	vadd.scan.msk.s32 $0xffff, v7  }
0x8d: {  	s15 =	spop (v2sf)  }
0x8e: {  	s15 =	sadd.s32 s20, s15  }
0x8f: {  	v7 =	vmov s15  }
0x90: {  	v7 =	vadd.s32 $0x2, v7  }
0x91: {  	v7 =	vbroadcast v7, $0x0  }
0x92: {  	v8, _, _ =	vpop (xrf0)  }
0x93: {  	v7 =	vadd.s32 v8, v7;
	_ =	sdelay $0x4  }
0x94: {  	s17 =	simm.s32 $0x0;
	(v2sf) =	vpush v8, $0xF;
	[tilespmem:v7+s29+$0x0] =	vst.idx.msk vm4, v6  }
0x95: {  	v6 =	vld [tilespmem:s17+$0x200];
	_ =	sdelay $0x4  }
0x96: {  	vm4 =	vgt.s32 v6, $0x0  }
0x97: {  	v7 =	vsel vm4, $0x1, v0  }
0x98: {  	(xrf0) =	vadd.scan.msk.s32 $0xffff, v7;
	_ =	sdelay $0x2  }
0x99: {  	s23 =	simm.s32 $0x0  }
0x9a: {  	v7 =	vmov s23  }
0x9b: {  	v7 =	vadd.s32 $0xFFFFFFFF, v7  }
0x9c: {  	v7 =	vbroadcast v7, $0x0;
	v63, _, _ =	vpop (xrf0)  }
0x9d: {  	s31 =	spop (v2sf);
	(v2sf) =	vpush v63, $0xF  }
0x9e: {  	v7 =	vadd.s32 v63, v7;
	_ =	sdelay $0x3  }
0x9f: {  	s4 =	simm.s32 $0x2E00  }
0xa0: {  	s17 =	simm.s32 $0x10;
	s20 =	sadd.s32 s15, s31;
	s15 =	simm.s32 $0x80;
	[tilespmem:v7+s3+$0x0] =	vst.idx.msk vm4, v6  }
.LBB2_4:
0xa1: {  	p3 =	sne.s32 s15, $0x1C0;
	v6 =	vld [tilespmem:s17+$0x200];
	_ =	sdelay $0x4  }
0xa2: {  	vm4 =	vgt.s32 v6, $0x0  }
0xa3: {  	v7 =	vsel vm4, $0x1, v0  }
0xa4: {  	(xrf0) =	vadd.scan.msk.s32 $0xffff, v7  }
0xa5: {  	s17 =	spop (v2sf)  }
0xa6: {  	s23 =	sadd.s32 s23, s17  }
0xa7: {  	v7 =	vmov s23  }
0xa8: {  	v7 =	vadd.s32 $0xFFFFFFFF, v7  }
0xa9: {  	v7 =	vbroadcast v7, $0x0  }
0xaa: {  	v8, _, _ =	vpop (xrf0)  }
0xab: {  	v7 =	vadd.s32 v8, v7;
	(v2sf) =	vpush v8, $0xF;
	_ =	sdelay $0x1  }
.Ltmp1:
0xac: {  	(pc) =	sbr.rel @p3 .LBB2_4-.Ltmp1, $3  }
0xad: {  	_ =	sdelay $0x1  }
0xae: {  	[tilespmem:v7+s3+$0x0] =	vst.idx.msk vm4, v6  }
0xaf: {  	s17 =	sshra.s32 s15, $0x2;
	s15 =	sadd.s32 $0x40, s15  }
0xb0: {  	v6 =	vld [tilespmem:s17+$0x200];
	_ =	sdelay $0x4  }
0xb1: {  	vm4 =	vgt.s32 v6, $0x0  }
0xb2: {  	v7 =	vsel vm4, $0x1, v0  }
0xb3: {  	(xrf0) =	vadd.scan.msk.s32 $0xffff, v7;
	_ =	sdelay $0x5  }
0xb4: {  	v7, _, _ =	vpop (xrf0)  }
0xb5: {  	(v2sf) =	vpush v7, $0xF;
	_ =	sdelay $0x9  }
0xb6: {  	s15 =	spop (v2sf)  }
0xb7: {  	s15 =	sadd.s32 s23, s15  }
0xb8: {  	v8 =	vmov s15  }
0xb9: {  	v8 =	vadd.s32 $0xFFFFFFFF, v8  }
0xba: {  	v8 =	vbroadcast v8, $0x0  }
0xbb: {  	s26 =	spop (v2sf)  }
0xbc: {  	p3 =	sgt.s32 s20, $0x0;
	v7 =	vadd.s32 v7, v8;
	s15 =	sadd.s32 s15, s26  }
0xbd: {  	s15 =	sadd.s32 s15, s20;
	s20 =	simm.s32 @!p3 $0x1FF  }
0xbe: {  	v62 =	vmov s20;
	_ =	sdelay $0x2  }
0xbf: {  	[tilespmem:v7+s3+$0x0] =	vst.idx.msk vm4, v6  }
0xc0: {  	v7 =	vld.msk [tilespmem:s1+$0x0], $0xffff  }
0xc1: {  	s15 =	sadd.s32 $0x3, s15;
	v6 =	vld.idx.msk [tilespmem:v62+s1+$0x0], $0xffff  }
0xc2: {  	v63 =	vsel vm1, s15, v2;
	_ =	sdelay $0x2  }
0xc3: {  	s10 =	sld [smem:$0x7FC]  }
0xc4: {  	v6 =	vsel vm2, v7, v6  }
0xc5: {  	[tilespmem:v63+s29+$0x0] =	vst.idx.msk $0x7, v6  }
0xc6: {  	v6 =	vld [tilespmem:s10+$0x280];
	_ =	sdelay $0x4  }
0xc7: {  	v7 =	vshrl.u32 v6, $0x3  }
0xc8: {  	v7 =	vmul.u32 $0x30, v7  }
0xc9: {  	v6 =	vand.u32 $0x7, v6  }
0xca: {  	v6 =	vor.u32 v6, v7  }
0xcb: {  	v7 =	vperm.xlane v6, v3;
	_ =	sdelay $0x1  }
0xcc: {  	v7 =	vadd.s32 v4, v7;
	_ =	sdelay $0x3  }
0xcd: {  	v6 =	vperm.xlane v6, v5  }
0xce: {  	[tilespmem:s12], [sflag:$0x1] =	stream.indirect_vreg.gather [hbm4b:s19+s1], $0x80, v7, vm0, $0xb8;
	[tilespmem:$0x1DE80] =	vst v63  }
0xcf: {  	s11 =	simm.s32 $0xE00;
	v6 =	vadd.s32 v4, v6  }
0xd0: {  	[tilespmem:s11], [sflag:$0x1] =	stream.indirect_vreg.gather [hbm4b:s24+s1], $0x80, v7, vm0, $0xb8;
	[tilespmem:$0x1DE80] =	vst v63  }
0xd1: {  	s21 =	simm.s32 $0x1600  }
0xd2: {  	[tilespmem:s21], [sflag:$0x1] =	stream.indirect_vreg.gather [hbm4b:s0+s1], $0x80, v7, vm0, $0xb8;
	[tilespmem:$0x1DE80] =	vst v63  }
0xd3: {  	s17 =	simm.s32 $0x1E00  }
0xd4: {  	[tilespmem:s17], [sflag:$0x1] =	stream.indirect_vreg.gather [hbm4b:s19+s1], $0x80, v6, vm0, $0xb8;
	[tilespmem:$0x1DE80] =	vst v63  }
0xd5: {  	s20 =	simm.s32 $0x2600  }
0xd6: {  	[tilespmem:s20], [sflag:$0x1] =	stream.indirect_vreg.gather [hbm4b:s24+s1], $0x80, v6, vm0, $0xb8;
	[tilespmem:$0x1DE80] =	vst v63  }
0xd7: {  	_ = 	snop  }
0xd8: {  	[tilespmem:s4], [sflag:$0x1] =	stream.indirect_vreg.gather [hbm4b:s0+s1], $0x80, v6, vm0, $0xb8;
	[tilespmem:$0x1DE80] =	vst v63  }
0xd9: {  	v6 =	vld [tilespmem:s10+$0x290];
	_ =	sdelay $0x4  }
0xda: {  	v7 =	vshrl.u32 v6, $0x3  }
0xdb: {  	v7 =	vmul.u32 $0x30, v7  }
0xdc: {  	v6 =	vand.u32 $0x7, v6  }
0xdd: {  	v6 =	vor.u32 v6, v7  }
0xde: {  	v7 =	vperm.xlane v6, v3;
	_ =	sdelay $0x1  }
0xdf: {  	v7 =	vadd.s32 v4, v7;
	_ =	sdelay $0x3  }
0xe0: {  	v6 =	vperm.xlane v6, v5  }
0xe1: {  	[tilespmem:s6], [sflag:$0x1] =	stream.indirect_vreg.gather [hbm4b:s19+s1], $0x80, v7, vm0, $0xb8;
	[tilespmem:$0x1DE80] =	vst v63  }
0xe2: {  	v6 =	vadd.s32 v4, v6  }
0xe3: {  	[tilespmem:s8], [sflag:$0x1] =	stream.indirect_vreg.gather [hbm4b:s24+s1], $0x80, v7, vm0, $0xb8;
	[tilespmem:$0x1DE80] =	vst v63  }
0xe4: {  	_ = 	snop  }
0xe5: {  	[tilespmem:s9], [sflag:$0x1] =	stream.indirect_vreg.gather [hbm4b:s0+s1], $0x80, v7, vm0, $0xb8;
	[tilespmem:$0x1DE80] =	vst v63  }
0xe6: {  	s7 =	simm.s32 $0x4E00  }
0xe7: {  	[tilespmem:s7], [sflag:$0x1] =	stream.indirect_vreg.gather [hbm4b:s19+s1], $0x80, v6, vm0, $0xb8;
	[tilespmem:$0x1DE80] =	vst v63  }
0xe8: {  	s26 =	simm.s32 $0x5600  }
0xe9: {  	[tilespmem:s26], [sflag:$0x1] =	stream.indirect_vreg.gather [hbm4b:s24+s1], $0x80, v6, vm0, $0xb8;
	[tilespmem:$0x1DE80] =	vst v63  }
0xea: {  	s18 =	simm.s32 $0x5E00  }
0xeb: {  	[tilespmem:s18], [sflag:$0x1] =	stream.indirect_vreg.gather [hbm4b:s0+s1], $0x80, v6, vm0, $0xb8;
	[tilespmem:$0x1DE80] =	vst v63  }
0xec: {  	v6 =	vld [tilespmem:s10+$0x2A0];
	_ =	sdelay $0x4  }
0xed: {  	v7 =	vshrl.u32 v6, $0x3  }
0xee: {  	v7 =	vmul.u32 $0x30, v7  }
0xef: {  	v6 =	vand.u32 $0x7, v6  }
0xf0: {  	v6 =	vor.u32 v6, v7  }
0xf1: {  	v7 =	vperm.xlane v6, v3;
	_ =	sdelay $0x1  }
0xf2: {  	v7 =	vadd.s32 v4, v7;
	_ =	sdelay $0x3  }
0xf3: {  	s12 =	simm.s32 $0x6600;
	v6 =	vperm.xlane v6, v5  }
0xf4: {  	[tilespmem:s12], [sflag:$0x1] =	stream.indirect_vreg.gather [hbm4b:s19+s1], $0x80, v7, vm0, $0xb8;
	[tilespmem:$0x1DE80] =	vst v63  }
0xf5: {  	s13 =	simm.s32 $0x6E00;
	v6 =	vadd.s32 v4, v6  }
0xf6: {  	[tilespmem:s13], [sflag:$0x1] =	stream.indirect_vreg.gather [hbm4b:s24+s1], $0x80, v7, vm0, $0xb8;
	[tilespmem:$0x1DE80] =	vst v63  }
0xf7: {  	s14 =	simm.s32 $0x7600  }
0xf8: {  	[tilespmem:s14], [sflag:$0x1] =	stream.indirect_vreg.gather [hbm4b:s0+s1], $0x80, v7, vm0, $0xb8;
	[tilespmem:$0x1DE80] =	vst v63  }
0xf9: {  	s10 =	simm.s32 $0x7E00  }
0xfa: {  	[tilespmem:s10], [sflag:$0x1] =	stream.indirect_vreg.gather [hbm4b:s19+s1], $0x80, v6, vm0, $0xb8;
	[tilespmem:$0x1DE80] =	vst v63  }
0xfb: {  	s9 =	simm.s32 $0x8600  }
0xfc: {  	[tilespmem:s9], [sflag:$0x1] =	stream.indirect_vreg.gather [hbm4b:s24+s1], $0x80, v6, vm0, $0xb8;
	[tilespmem:$0x1DE80] =	vst v63  }
0xfd: {  	s4 =	rddreg [dreg:$0x17];
	s8 =	simm.s32 $0x8E00  }
0xfe: {  	[tilespmem:s8], [sflag:$0x1] =	stream.indirect_vreg.gather [hbm4b:s0+s1], $0x80, v6, vm0, $0xb8;
	[tilespmem:$0x1DE80] =	vst v63  }
0xff: {  	v6 =	vld [tilespmem:s4+$0x280];
	_ =	sdelay $0x4  }
0x100: {  	v7 =	vshrl.u32 v6, $0x3  }
0x101: {  	v7 =	vmul.u32 $0x30, v7  }
0x102: {  	v6 =	vand.u32 $0x7, v6  }
0x103: {  	v6 =	vor.u32 v6, v7  }
0x104: {  	v7 =	vperm.xlane v6, v3;
	_ =	sdelay $0x1  }
0x105: {  	v7 =	vadd.s32 v4, v7;
	_ =	sdelay $0x3  }
0x106: {  	s5 =	simm.s32 $0x9600;
	v6 =	vperm.xlane v6, v5  }
0x107: {  	[tilespmem:s5], [sflag:$0x2] =	stream.indirect_vreg.gather [hbm4b:s19+s1], $0x80, v7, vm0, $0xb8;
	[tilespmem:$0x1DE80] =	vst v63  }
0x108: {  	s2 =	simm.s32 $0x9E00;
	v6 =	vadd.s32 v4, v6  }
0x109: {  	[tilespmem:s2], [sflag:$0x2] =	stream.indirect_vreg.gather [hbm4b:s24+s1], $0x80, v7, vm0, $0xb8;
	[tilespmem:$0x1DE80] =	vst v63  }
0x10a: {  	s23 =	simm.s32 $0xA600  }
0x10b: {  	[tilespmem:s23], [sflag:$0x2] =	stream.indirect_vreg.gather [hbm4b:s0+s1], $0x80, v7, vm0, $0xb8;
	[tilespmem:$0x1DE80] =	vst v63  }
0x10c: {  	s31 =	simm.s32 $0xAE00  }
0x10d: {  	[tilespmem:s31], [sflag:$0x2] =	stream.indirect_vreg.gather [hbm4b:s19+s1], $0x80, v6, vm0, $0xb8;
	[tilespmem:$0x1DE80] =	vst v63  }
0x10e: {  	s28 =	simm.s32 $0xB600  }
0x10f: {  	[tilespmem:s28], [sflag:$0x2] =	stream.indirect_vreg.gather [hbm4b:s24+s1], $0x80, v6, vm0, $0xb8;
	[tilespmem:$0x1DE80] =	vst v63  }
0x110: {  	s30 =	simm.s32 $0xBE00  }
0x111: {  	[tilespmem:s30], [sflag:$0x2] =	stream.indirect_vreg.gather [hbm4b:s0+s1], $0x80, v6, vm0, $0xb8;
	[tilespmem:$0x1DE80] =	vst v63  }
0x112: {  	v6 =	vld [tilespmem:s4+$0x290];
	_ =	sdelay $0x4  }
0x113: {  	v7 =	vshrl.u32 v6, $0x3  }
0x114: {  	v7 =	vmul.u32 $0x30, v7  }
0x115: {  	v6 =	vand.u32 $0x7, v6  }
0x116: {  	v6 =	vor.u32 v6, v7  }
0x117: {  	v7 =	vperm.xlane v6, v3;
	_ =	sdelay $0x1  }
0x118: {  	v7 =	vadd.s32 v4, v7;
	_ =	sdelay $0x3  }
0x119: {  	s28 =	simm.s32 $0xC600;
	v6 =	vperm.xlane v6, v5  }
0x11a: {  	[tilespmem:s28], [sflag:$0x2] =	stream.indirect_vreg.gather [hbm4b:s19+s1], $0x80, v7, vm0, $0xb8;
	[tilespmem:$0x1DE80] =	vst v63  }
0x11b: {  	s30 =	simm.s32 $0xCE00;
	v6 =	vadd.s32 v4, v6  }
0x11c: {  	[tilespmem:s30], [sflag:$0x2] =	stream.indirect_vreg.gather [hbm4b:s24+s1], $0x80, v7, vm0, $0xb8;
	[tilespmem:$0x1DE80] =	vst v63  }
0x11d: {  	s15 =	simm.s32 $0xD600  }
0x11e: {  	[tilespmem:s15], [sflag:$0x2] =	stream.indirect_vreg.gather [hbm4b:s0+s1], $0x80, v7, vm0, $0xb8;
	[tilespmem:$0x1DE80] =	vst v63  }
0x11f: {  	s15 =	simm.s32 $0xDE00  }
0x120: {  	[tilespmem:s15], [sflag:$0x2] =	stream.indirect_vreg.gather [hbm4b:s19+s1], $0x80, v6, vm0, $0xb8;
	[tilespmem:$0x1DE80] =	vst v63  }
0x121: {  	s15 =	simm.s32 $0xE600  }
0x122: {  	[tilespmem:s15], [sflag:$0x2] =	stream.indirect_vreg.gather [hbm4b:s24+s1], $0x80, v6, vm0, $0xb8;
	[tilespmem:$0x1DE80] =	vst v63  }
0x123: {  	s15 =	simm.s32 $0xEE00  }
0x124: {  	[tilespmem:s15], [sflag:$0x2] =	stream.indirect_vreg.gather [hbm4b:s0+s1], $0x80, v6, vm0, $0xb8;
	[tilespmem:$0x1DE80] =	vst v63  }
0x125: {  	v6 =	vld [tilespmem:s4+$0x2A0];
	_ =	sdelay $0x4  }
0x126: {  	v7 =	vshrl.u32 v6, $0x3  }
0x127: {  	v7 =	vmul.u32 $0x30, v7  }
0x128: {  	v6 =	vand.u32 $0x7, v6  }
0x129: {  	v6 =	vor.u32 v6, v7  }
0x12a: {  	v7 =	vperm.xlane v6, v3;
	_ =	sdelay $0x1  }
0x12b: {  	v7 =	vadd.s32 v4, v7;
	_ =	sdelay $0x3  }
0x12c: {  	s15 =	simm.s32 $0xF600;
	v6 =	vperm.xlane v6, v5  }
0x12d: {  	[tilespmem:s15], [sflag:$0x2] =	stream.indirect_vreg.gather [hbm4b:s19+s1], $0x80, v7, vm0, $0xb8;
	[tilespmem:$0x1DE80] =	vst v63  }
0x12e: {  	s4 =	simm.s32 $0xFE00;
	v6 =	vadd.s32 v4, v6  }
0x12f: {  	[tilespmem:s4], [sflag:$0x2] =	stream.indirect_vreg.gather [hbm4b:s24+s1], $0x80, v7, vm0, $0xb8;
	[tilespmem:$0x1DE80] =	vst v63  }
0x130: {  	s15 =	simm.s32 $0x10600  }
0x131: {  	[tilespmem:s15], [sflag:$0x2] =	stream.indirect_vreg.gather [hbm4b:s0+s1], $0x80, v7, vm0, $0xb8;
	[tilespmem:$0x1DE80] =	vst v63  }
0x132: {  	s4 =	simm.s32 $0x10E00  }
0x133: {  	[tilespmem:s4], [sflag:$0x2] =	stream.indirect_vreg.gather [hbm4b:s19+s1], $0x80, v6, vm0, $0xb8;
	[tilespmem:$0x1DE80] =	vst v63  }
0x134: {  	s15 =	simm.s32 $0x11600  }
0x135: {  	[tilespmem:s15], [sflag:$0x2] =	stream.indirect_vreg.gather [hbm4b:s24+s1], $0x80, v6, vm0, $0xb8;
	[tilespmem:$0x1DE80] =	vst v63  }
0x136: {  	s4 =	simm.s32 $0x11E00  }
0x137: {  	[tilespmem:s4], [sflag:$0x2] =	stream.indirect_vreg.gather [hbm4b:s0+s1], $0x80, v6, vm0, $0xb8;
	[tilespmem:$0x1DE80] =	vst v63  }
0x138: {  	s4 =	rddreg [dreg:$0x1d]  }
0x139: {  	v6 =	vld [tilespmem:s4+$0x280];
	_ =	sdelay $0x4  }
0x13a: {  	v7 =	vshrl.u32 v6, $0x3  }
0x13b: {  	v7 =	vmul.u32 $0x30, v7  }
0x13c: {  	v6 =	vand.u32 $0x7, v6  }
0x13d: {  	v6 =	vor.u32 v6, v7  }
0x13e: {  	v7 =	vperm.xlane v6, v3;
	_ =	sdelay $0x1  }
0x13f: {  	v7 =	vadd.s32 v4, v7;
	_ =	sdelay $0x3  }
0x140: {  	s2 =	simm.s32 $0x12600;
	v6 =	vperm.xlane v6, v5  }
0x141: {  	[tilespmem:s2], [sflag:$0x3] =	stream.indirect_vreg.gather [hbm4b:s19+s1], $0x80, v7, vm0, $0xb8;
	[tilespmem:$0x1DE80] =	vst v63  }
0x142: {  	s15 =	simm.s32 $0x12E00;
	v6 =	vadd.s32 v4, v6  }
0x143: {  	[tilespmem:s15], [sflag:$0x3] =	stream.indirect_vreg.gather [hbm4b:s24+s1], $0x80, v7, vm0, $0xb8;
	[tilespmem:$0x1DE80] =	vst v63  }
0x144: {  	s15 =	simm.s32 $0x13600  }
0x145: {  	[tilespmem:s15], [sflag:$0x3] =	stream.indirect_vreg.gather [hbm4b:s0+s1], $0x80, v7, vm0, $0xb8;
	[tilespmem:$0x1DE80] =	vst v63  }
0x146: {  	s15 =	simm.s32 $0x13E00  }
0x147: {  	[tilespmem:s15], [sflag:$0x3] =	stream.indirect_vreg.gather [hbm4b:s19+s1], $0x80, v6, vm0, $0xb8;
	[tilespmem:$0x1DE80] =	vst v63  }
0x148: {  	s15 =	simm.s32 $0x14600  }
0x149: {  	[tilespmem:s15], [sflag:$0x3] =	stream.indirect_vreg.gather [hbm4b:s24+s1], $0x80, v6, vm0, $0xb8;
	[tilespmem:$0x1DE80] =	vst v63  }
0x14a: {  	s15 =	simm.s32 $0x14E00  }
0x14b: {  	[tilespmem:s15], [sflag:$0x3] =	stream.indirect_vreg.gather [hbm4b:s0+s1], $0x80, v6, vm0, $0xb8;
	[tilespmem:$0x1DE80] =	vst v63  }
0x14c: {  	v6 =	vld [tilespmem:s4+$0x290];
	_ =	sdelay $0x4  }
0x14d: {  	v7 =	vshrl.u32 v6, $0x3  }
0x14e: {  	v7 =	vmul.u32 $0x30, v7  }
0x14f: {  	v6 =	vand.u32 $0x7, v6  }
0x150: {  	v6 =	vor.u32 v6, v7  }
0x151: {  	v7 =	vperm.xlane v6, v3;
	_ =	sdelay $0x1  }
0x152: {  	v7 =	vadd.s32 v4, v7;
	_ =	sdelay $0x3  }
0x153: {  	s15 =	simm.s32 $0x15600;
	v6 =	vperm.xlane v6, v5  }
0x154: {  	[tilespmem:s15], [sflag:$0x3] =	stream.indirect_vreg.gather [hbm4b:s19+s1], $0x80, v7, vm0, $0xb8;
	[tilespmem:$0x1DE80] =	vst v63  }
0x155: {  	v6 =	vadd.s32 v4, v6;
	s15 =	simm.s32 $0x15E00  }
0x156: {  	[tilespmem:s15], [sflag:$0x3] =	stream.indirect_vreg.gather [hbm4b:s24+s1], $0x80, v7, vm0, $0xb8;
	[tilespmem:$0x1DE80] =	vst v63  }
0x157: {  	s15 =	simm.s32 $0x16600  }
0x158: {  	[tilespmem:s15], [sflag:$0x3] =	stream.indirect_vreg.gather [hbm4b:s0+s1], $0x80, v7, vm0, $0xb8;
	[tilespmem:$0x1DE80] =	vst v63  }
0x159: {  	s15 =	simm.s32 $0x16E00  }
0x15a: {  	[tilespmem:s15], [sflag:$0x3] =	stream.indirect_vreg.gather [hbm4b:s19+s1], $0x80, v6, vm0, $0xb8;
	[tilespmem:$0x1DE80] =	vst v63  }
0x15b: {  	s15 =	simm.s32 $0x17600  }
0x15c: {  	[tilespmem:s15], [sflag:$0x3] =	stream.indirect_vreg.gather [hbm4b:s24+s1], $0x80, v6, vm0, $0xb8;
	[tilespmem:$0x1DE80] =	vst v63  }
0x15d: {  	s15 =	simm.s32 $0x17E00  }
0x15e: {  	[tilespmem:s15], [sflag:$0x3] =	stream.indirect_vreg.gather [hbm4b:s0+s1], $0x80, v6, vm0, $0xb8;
	[tilespmem:$0x1DE80] =	vst v63  }
0x15f: {  	v6 =	vld [tilespmem:s4+$0x2A0];
	_ =	sdelay $0x4  }
0x160: {  	v7 =	vshrl.u32 v6, $0x3  }
0x161: {  	v7 =	vmul.u32 $0x30, v7  }
0x162: {  	v6 =	vand.u32 $0x7, v6  }
0x163: {  	v6 =	vor.u32 v6, v7  }
0x164: {  	v7 =	vperm.xlane v6, v3;
	_ =	sdelay $0x1  }
0x165: {  	v7 =	vadd.s32 v4, v7;
	_ =	sdelay $0x3  }
0x166: {  	s15 =	simm.s32 $0x18600;
	v6 =	vperm.xlane v6, v5  }
0x167: {  	[tilespmem:s15], [sflag:$0x3] =	stream.indirect_vreg.gather [hbm4b:s19+s1], $0x80, v7, vm0, $0xb8;
	[tilespmem:$0x1DE80] =	vst v63  }
0x168: {  	v6 =	vadd.s32 v4, v6;
	s15 =	simm.s32 $0x18E00  }
0x169: {  	[tilespmem:s15], [sflag:$0x3] =	stream.indirect_vreg.gather [hbm4b:s24+s1], $0x80, v7, vm0, $0xb8;
	[tilespmem:$0x1DE80] =	vst v63  }
0x16a: {  	s15 =	simm.s32 $0x19600  }
0x16b: {  	[tilespmem:s15], [sflag:$0x3] =	stream.indirect_vreg.gather [hbm4b:s0+s1], $0x80, v7, vm0, $0xb8;
	[tilespmem:$0x1DE80] =	vst v63  }
0x16c: {  	s15 =	simm.s32 $0x19E00  }
0x16d: {  	[tilespmem:s15], [sflag:$0x3] =	stream.indirect_vreg.gather [hbm4b:s19+s1], $0x80, v6, vm0, $0xb8;
	[tilespmem:$0x1DE80] =	vst v63  }
0x16e: {  	s15 =	simm.s32 $0x1A600  }
0x16f: {  	[tilespmem:s15], [sflag:$0x3] =	stream.indirect_vreg.gather [hbm4b:s24+s1], $0x80, v6, vm0, $0xb8;
	[tilespmem:$0x1DE80] =	vst v63  }
0x170: {  	s15 =	simm.s32 $0x1AE00  }
0x171: {  	[tilespmem:s15], [sflag:$0x3] =	stream.indirect_vreg.gather [hbm4b:s0+s1], $0x80, v6, vm0, $0xb8;
	[tilespmem:$0x1DE80] =	vst v63  }
0x172: {  	s15 =	simm.s32 $0x1  }
0x173: {  	_ =	swait.ge [sflag:s15], $0x9000  }
0x174: {  	s6 =	simm.s32 $0x600;
	[sflag:s15] =	ssyncset.done $0x0  }
0x175: {  	s4 =	rddreg [dreg:$0xd];
	[sflag:s15] =	ssyncadd.s32 $0xFFFF7000;
	s15 =	simm.s32 $0x4  }
0x176: {  	[hbm4b:s4+s1] =	stream.linear.scatter [tilespmem:s6], [sflag:$0x4], $0x9000, $0x38;
	[tilespmem:$0x1DE80] =	vst v63  }
0x177: {  	_ =	swait.ge [sflag:s15], $0x9000  }
0x178: {  	[sflag:s15] =	ssyncset.done $0x0  }
0x179: {  	s4 =	rddreg [dreg:$0x1e];
	[sflag:s15] =	ssyncadd.s32 $0xFFFF7000  }
0x17a: {  	v6 =	vld [tilespmem:s4+$0x280];
	_ =	sdelay $0x4  }
0x17b: {  	v7 =	vshrl.u32 v6, $0x3  }
0x17c: {  	v7 =	vmul.u32 $0x30, v7  }
0x17d: {  	v6 =	vand.u32 $0x7, v6  }
0x17e: {  	v6 =	vor.u32 v6, v7  }
0x17f: {  	v7 =	vperm.xlane v6, v3;
	_ =	sdelay $0x1  }
0x180: {  	v7 =	vadd.s32 v4, v7;
	_ =	sdelay $0x3  }
0x181: {  	v6 =	vperm.xlane v6, v5  }
0x182: {  	[tilespmem:s6], [sflag:$0x1] =	stream.indirect_vreg.gather [hbm4b:s19+s1], $0x80, v7, vm0, $0xb8;
	[tilespmem:$0x1DE80] =	vst v63  }
0x183: {  	v6 =	vadd.s32 v4, v6  }
0x184: {  	[tilespmem:s11], [sflag:$0x1] =	stream.indirect_vreg.gather [hbm4b:s24+s1], $0x80, v7, vm0, $0xb8;
	[tilespmem:$0x1DE80] =	vst v63  }
0x185: {  	_ = 	snop  }
0x186: {  	[tilespmem:s21], [sflag:$0x1] =	stream.indirect_vreg.gather [hbm4b:s0+s1], $0x80, v7, vm0, $0xb8;
	[tilespmem:$0x1DE80] =	vst v63  }
0x187: {  	_ = 	snop  }
0x188: {  	[tilespmem:s17], [sflag:$0x1] =	stream.indirect_vreg.gather [hbm4b:s19+s1], $0x80, v6, vm0, $0xb8;
	[tilespmem:$0x1DE80] =	vst v63  }
0x189: {  	_ = 	snop  }
0x18a: {  	[tilespmem:s20], [sflag:$0x1] =	stream.indirect_vreg.gather [hbm4b:s24+s1], $0x80, v6, vm0, $0xb8;
	[tilespmem:$0x1DE80] =	vst v63  }
0x18b: {  	s21 =	simm.s32 $0x2E00  }
0x18c: {  	[tilespmem:s21], [sflag:$0x1] =	stream.indirect_vreg.gather [hbm4b:s0+s1], $0x80, v6, vm0, $0xb8;
	[tilespmem:$0x1DE80] =	vst v63  }
0x18d: {  	v6 =	vld [tilespmem:s4+$0x290];
	_ =	sdelay $0x4  }
0x18e: {  	v7 =	vshrl.u32 v6, $0x3  }
0x18f: {  	v7 =	vmul.u32 $0x30, v7  }
0x190: {  	v6 =	vand.u32 $0x7, v6  }
0x191: {  	v6 =	vor.u32 v6, v7  }
0x192: {  	v7 =	vperm.xlane v6, v3;
	_ =	sdelay $0x1  }
0x193: {  	v7 =	vadd.s32 v4, v7;
	_ =	sdelay $0x3  }
0x194: {  	s15 =	simm.s32 $0x3600;
	v6 =	vperm.xlane v6, v5  }
0x195: {  	[tilespmem:s15], [sflag:$0x1] =	stream.indirect_vreg.gather [hbm4b:s19+s1], $0x80, v7, vm0, $0xb8;
	[tilespmem:$0x1DE80] =	vst v63  }
0x196: {  	s17 =	simm.s32 $0x3E00;
	v6 =	vadd.s32 v4, v6  }
0x197: {  	[tilespmem:s17], [sflag:$0x1] =	stream.indirect_vreg.gather [hbm4b:s24+s1], $0x80, v7, vm0, $0xb8;
	[tilespmem:$0x1DE80] =	vst v63  }
0x198: {  	s20 =	simm.s32 $0x4600  }
0x199: {  	[tilespmem:s20], [sflag:$0x1] =	stream.indirect_vreg.gather [hbm4b:s0+s1], $0x80, v7, vm0, $0xb8;
	[tilespmem:$0x1DE80] =	vst v63  }
0x19a: {  	_ = 	snop  }
0x19b: {  	[tilespmem:s7], [sflag:$0x1] =	stream.indirect_vreg.gather [hbm4b:s19+s1], $0x80, v6, vm0, $0xb8;
	[tilespmem:$0x1DE80] =	vst v63  }
0x19c: {  	_ = 	snop  }
0x19d: {  	[tilespmem:s26], [sflag:$0x1] =	stream.indirect_vreg.gather [hbm4b:s24+s1], $0x80, v6, vm0, $0xb8;
	[tilespmem:$0x1DE80] =	vst v63  }
0x19e: {  	_ = 	snop  }
0x19f: {  	[tilespmem:s18], [sflag:$0x1] =	stream.indirect_vreg.gather [hbm4b:s0+s1], $0x80, v6, vm0, $0xb8;
	[tilespmem:$0x1DE80] =	vst v63  }
0x1a0: {  	v6 =	vld [tilespmem:s4+$0x2A0];
	_ =	sdelay $0x4  }
0x1a1: {  	v7 =	vshrl.u32 v6, $0x3  }
0x1a2: {  	v7 =	vmul.u32 $0x30, v7  }
0x1a3: {  	v6 =	vand.u32 $0x7, v6  }
0x1a4: {  	v6 =	vor.u32 v6, v7  }
0x1a5: {  	v7 =	vperm.xlane v6, v3;
	_ =	sdelay $0x1  }
0x1a6: {  	v7 =	vadd.s32 v4, v7;
	_ =	sdelay $0x3  }
0x1a7: {  	v6 =	vperm.xlane v6, v5  }
0x1a8: {  	[tilespmem:s12], [sflag:$0x1] =	stream.indirect_vreg.gather [hbm4b:s19+s1], $0x80, v7, vm0, $0xb8;
	[tilespmem:$0x1DE80] =	vst v63  }
0x1a9: {  	v6 =	vadd.s32 v4, v6  }
0x1aa: {  	[tilespmem:s13], [sflag:$0x1] =	stream.indirect_vreg.gather [hbm4b:s24+s1], $0x80, v7, vm0, $0xb8;
	[tilespmem:$0x1DE80] =	vst v63  }
0x1ab: {  	_ = 	snop  }
0x1ac: {  	[tilespmem:s14], [sflag:$0x1] =	stream.indirect_vreg.gather [hbm4b:s0+s1], $0x80, v7, vm0, $0xb8;
	[tilespmem:$0x1DE80] =	vst v63  }
0x1ad: {  	_ = 	snop  }
0x1ae: {  	[tilespmem:s10], [sflag:$0x1] =	stream.indirect_vreg.gather [hbm4b:s19+s1], $0x80, v6, vm0, $0xb8;
	[tilespmem:$0x1DE80] =	vst v63  }
0x1af: {  	_ = 	snop  }
0x1b0: {  	[tilespmem:s9], [sflag:$0x1] =	stream.indirect_vreg.gather [hbm4b:s24+s1], $0x80, v6, vm0, $0xb8;
	[tilespmem:$0x1DE80] =	vst v63  }
0x1b1: {  	s17 =	simm.s32 $0x2  }
0x1b2: {  	[tilespmem:s8], [sflag:$0x1] =	stream.indirect_vreg.gather [hbm4b:s0+s1], $0x80, v6, vm0, $0xb8;
	[tilespmem:$0x1DE80] =	vst v63  }
0x1b3: {  	_ =	swait.ge [sflag:s17], $0x9000  }
0x1b4: {  	[sflag:s17] =	ssyncset.done $0x0  }
0x1b5: {  	s10 =	simm.s32 $0x5;
	s9 =	rddreg [dreg:$0xe];
	[sflag:s17] =	ssyncadd.s32 $0xFFFF7000  }
0x1b6: {  	[hbm4b:s9+s1] =	stream.linear.scatter [tilespmem:s5], [sflag:$0x5], $0x9000, $0x38;
	[tilespmem:$0x1DE80] =	vst v63  }
0x1b7: {  	_ =	swait.ge [sflag:s10], $0x9000  }
0x1b8: {  	[sflag:s10] =	ssyncset.done $0x0  }
0x1b9: {  	s4 =	rddreg [dreg:$0x1f];
	[sflag:s10] =	ssyncadd.s32 $0xFFFF7000  }
0x1ba: {  	v6 =	vld [tilespmem:s4+$0x280];
	_ =	sdelay $0x4  }
0x1bb: {  	v7 =	vshrl.u32 v6, $0x3  }
0x1bc: {  	v7 =	vmul.u32 $0x30, v7  }
0x1bd: {  	v6 =	vand.u32 $0x7, v6  }
0x1be: {  	v6 =	vor.u32 v6, v7  }
0x1bf: {  	v7 =	vperm.xlane v6, v3;
	_ =	sdelay $0x1  }
0x1c0: {  	v7 =	vadd.s32 v4, v7;
	_ =	sdelay $0x3  }
0x1c1: {  	v6 =	vperm.xlane v6, v5  }
0x1c2: {  	[tilespmem:s5], [sflag:$0x2] =	stream.indirect_vreg.gather [hbm4b:s19+s1], $0x80, v7, vm0, $0xb8;
	[tilespmem:$0x1DE80] =	vst v63  }
0x1c3: {  	s13 =	simm.s32 $0x9E00;
	v6 =	vadd.s32 v4, v6  }
0x1c4: {  	[tilespmem:s13], [sflag:$0x2] =	stream.indirect_vreg.gather [hbm4b:s24+s1], $0x80, v7, vm0, $0xb8;
	[tilespmem:$0x1DE80] =	vst v63  }
0x1c5: {  	_ = 	snop  }
0x1c6: {  	[tilespmem:s23], [sflag:$0x2] =	stream.indirect_vreg.gather [hbm4b:s0+s1], $0x80, v7, vm0, $0xb8;
	[tilespmem:$0x1DE80] =	vst v63  }
0x1c7: {  	_ = 	snop  }
0x1c8: {  	[tilespmem:s31], [sflag:$0x2] =	stream.indirect_vreg.gather [hbm4b:s19+s1], $0x80, v6, vm0, $0xb8;
	[tilespmem:$0x1DE80] =	vst v63  }
0x1c9: {  	s14 =	simm.s32 $0xB600  }
0x1ca: {  	[tilespmem:s14], [sflag:$0x2] =	stream.indirect_vreg.gather [hbm4b:s24+s1], $0x80, v6, vm0, $0xb8;
	[tilespmem:$0x1DE80] =	vst v63  }
0x1cb: {  	s15 =	simm.s32 $0xBE00  }
0x1cc: {  	[tilespmem:s15], [sflag:$0x2] =	stream.indirect_vreg.gather [hbm4b:s0+s1], $0x80, v6, vm0, $0xb8;
	[tilespmem:$0x1DE80] =	vst v63  }
0x1cd: {  	v6 =	vld [tilespmem:s4+$0x290];
	_ =	sdelay $0x4  }
0x1ce: {  	v7 =	vshrl.u32 v6, $0x3  }
0x1cf: {  	v7 =	vmul.u32 $0x30, v7  }
0x1d0: {  	v6 =	vand.u32 $0x7, v6  }
0x1d1: {  	v6 =	vor.u32 v6, v7  }
0x1d2: {  	v7 =	vperm.xlane v6, v3;
	_ =	sdelay $0x1  }
0x1d3: {  	v7 =	vadd.s32 v4, v7;
	_ =	sdelay $0x3  }
0x1d4: {  	v6 =	vperm.xlane v6, v5  }
0x1d5: {  	[tilespmem:s28], [sflag:$0x2] =	stream.indirect_vreg.gather [hbm4b:s19+s1], $0x80, v7, vm0, $0xb8;
	[tilespmem:$0x1DE80] =	vst v63  }
0x1d6: {  	v6 =	vadd.s32 v4, v6  }
0x1d7: {  	[tilespmem:s30], [sflag:$0x2] =	stream.indirect_vreg.gather [hbm4b:s24+s1], $0x80, v7, vm0, $0xb8;
	[tilespmem:$0x1DE80] =	vst v63  }
0x1d8: {  	s18 =	simm.s32 $0xD600  }
0x1d9: {  	[tilespmem:s18], [sflag:$0x2] =	stream.indirect_vreg.gather [hbm4b:s0+s1], $0x80, v7, vm0, $0xb8;
	[tilespmem:$0x1DE80] =	vst v63  }
0x1da: {  	s20 =	simm.s32 $0xDE00  }
0x1db: {  	[tilespmem:s20], [sflag:$0x2] =	stream.indirect_vreg.gather [hbm4b:s19+s1], $0x80, v6, vm0, $0xb8;
	[tilespmem:$0x1DE80] =	vst v63  }
0x1dc: {  	s23 =	simm.s32 $0xE600  }
0x1dd: {  	[tilespmem:s23], [sflag:$0x2] =	stream.indirect_vreg.gather [hbm4b:s24+s1], $0x80, v6, vm0, $0xb8;
	[tilespmem:$0x1DE80] =	vst v63  }
0x1de: {  	s30 =	simm.s32 $0xEE00  }
0x1df: {  	[tilespmem:s30], [sflag:$0x2] =	stream.indirect_vreg.gather [hbm4b:s0+s1], $0x80, v6, vm0, $0xb8;
	[tilespmem:$0x1DE80] =	vst v63  }
0x1e0: {  	v6 =	vld [tilespmem:s4+$0x2A0];
	_ =	sdelay $0x4  }
0x1e1: {  	v7 =	vshrl.u32 v6, $0x3  }
0x1e2: {  	v7 =	vmul.u32 $0x30, v7  }
0x1e3: {  	v6 =	vand.u32 $0x7, v6  }
0x1e4: {  	v6 =	vor.u32 v6, v7  }
0x1e5: {  	v7 =	vperm.xlane v6, v3;
	_ =	sdelay $0x1  }
0x1e6: {  	v7 =	vadd.s32 v4, v7;
	_ =	sdelay $0x3  }
0x1e7: {  	s15 =	simm.s32 $0xF600;
	v6 =	vperm.xlane v6, v5  }
0x1e8: {  	[tilespmem:s15], [sflag:$0x2] =	stream.indirect_vreg.gather [hbm4b:s19+s1], $0x80, v7, vm0, $0xb8;
	[tilespmem:$0x1DE80] =	vst v63  }
0x1e9: {  	s20 =	simm.s32 $0xFE00;
	v6 =	vadd.s32 v4, v6  }
0x1ea: {  	[tilespmem:s20], [sflag:$0x2] =	stream.indirect_vreg.gather [hbm4b:s24+s1], $0x80, v7, vm0, $0xb8;
	[tilespmem:$0x1DE80] =	vst v63  }
0x1eb: {  	s30 =	simm.s32 $0x10600  }
0x1ec: {  	[tilespmem:s30], [sflag:$0x2] =	stream.indirect_vreg.gather [hbm4b:s0+s1], $0x80, v7, vm0, $0xb8;
	[tilespmem:$0x1DE80] =	vst v63  }
0x1ed: {  	s15 =	simm.s32 $0x10E00  }
0x1ee: {  	[tilespmem:s15], [sflag:$0x2] =	stream.indirect_vreg.gather [hbm4b:s19+s1], $0x80, v6, vm0, $0xb8;
	[tilespmem:$0x1DE80] =	vst v63  }
0x1ef: {  	s20 =	simm.s32 $0x11600  }
0x1f0: {  	[tilespmem:s20], [sflag:$0x2] =	stream.indirect_vreg.gather [hbm4b:s24+s1], $0x80, v6, vm0, $0xb8;
	[tilespmem:$0x1DE80] =	vst v63  }
0x1f1: {  	s30 =	simm.s32 $0x11E00;
	s20 =	simm.s32 $0x3  }
0x1f2: {  	[tilespmem:s30], [sflag:$0x2] =	stream.indirect_vreg.gather [hbm4b:s0+s1], $0x80, v6, vm0, $0xb8;
	[tilespmem:$0x1DE80] =	vst v63  }
0x1f3: {  	_ =	swait.ge [sflag:s20], $0x9000  }
0x1f4: {  	[sflag:s20] =	ssyncset.done $0x0  }
0x1f5: {  	s15 =	simm.s32 $0x6;
	s4 =	rddreg [dreg:$0xf];
	[sflag:s20] =	ssyncadd.s32 $0xFFFF7000  }
0x1f6: {  	[hbm4b:s4+s1] =	stream.linear.scatter [tilespmem:s2], [sflag:$0x6], $0x9000, $0x38;
	[tilespmem:$0x1DE80] =	vst v63  }
0x1f7: {  	_ =	swait.ge [sflag:s15], $0x9000  }
0x1f8: {  	s4 =	sld [smem:$0x7FD]  }
0x1f9: {  	[sflag:s15] =	ssyncset.done $0x0  }
0x1fa: {  	[sflag:s15] =	ssyncadd.s32 $0xFFFF7000  }
0x1fb: {  	v6 =	vld [tilespmem:s4+$0x280];
	_ =	sdelay $0x4  }
0x1fc: {  	v7 =	vshrl.u32 v6, $0x3  }
0x1fd: {  	v7 =	vmul.u32 $0x30, v7  }
0x1fe: {  	v6 =	vand.u32 $0x7, v6  }
0x1ff: {  	v6 =	vor.u32 v6, v7  }
0x200: {  	v7 =	vperm.xlane v6, v3;
	_ =	sdelay $0x1  }
0x201: {  	v7 =	vadd.s32 v4, v7;
	_ =	sdelay $0x3  }
0x202: {  	v6 =	vperm.xlane v6, v5  }
0x203: {  	[tilespmem:s2], [sflag:$0x3] =	stream.indirect_vreg.gather [hbm4b:s19+s1], $0x80, v7, vm0, $0xb8;
	[tilespmem:$0x1DE80] =	vst v63  }
0x204: {  	s30 =	simm.s32 $0x12E00;
	v6 =	vadd.s32 v4, v6  }
0x205: {  	[tilespmem:s30], [sflag:$0x3] =	stream.indirect_vreg.gather [hbm4b:s24+s1], $0x80, v7, vm0, $0xb8;
	[tilespmem:$0x1DE80] =	vst v63  }
0x206: {  	s30 =	simm.s32 $0x13600  }
0x207: {  	[tilespmem:s30], [sflag:$0x3] =	stream.indirect_vreg.gather [hbm4b:s0+s1], $0x80, v7, vm0, $0xb8;
	[tilespmem:$0x1DE80] =	vst v63  }
0x208: {  	s30 =	simm.s32 $0x13E00  }
0x209: {  	[tilespmem:s30], [sflag:$0x3] =	stream.indirect_vreg.gather [hbm4b:s19+s1], $0x80, v6, vm0, $0xb8;
	[tilespmem:$0x1DE80] =	vst v63  }
0x20a: {  	s30 =	simm.s32 $0x14600  }
0x20b: {  	[tilespmem:s30], [sflag:$0x3] =	stream.indirect_vreg.gather [hbm4b:s24+s1], $0x80, v6, vm0, $0xb8;
	[tilespmem:$0x1DE80] =	vst v63  }
0x20c: {  	s30 =	simm.s32 $0x14E00  }
0x20d: {  	[tilespmem:s30], [sflag:$0x3] =	stream.indirect_vreg.gather [hbm4b:s0+s1], $0x80, v6, vm0, $0xb8;
	[tilespmem:$0x1DE80] =	vst v63  }
0x20e: {  	v6 =	vld [tilespmem:s4+$0x290];
	_ =	sdelay $0x4  }
0x20f: {  	v7 =	vshrl.u32 v6, $0x3  }
0x210: {  	v7 =	vmul.u32 $0x30, v7  }
0x211: {  	v6 =	vand.u32 $0x7, v6  }
0x212: {  	v6 =	vor.u32 v6, v7  }
0x213: {  	v7 =	vperm.xlane v6, v3;
	_ =	sdelay $0x1  }
0x214: {  	v7 =	vadd.s32 v4, v7;
	_ =	sdelay $0x3  }
0x215: {  	s30 =	simm.s32 $0x15600;
	v6 =	vperm.xlane v6, v5  }
0x216: {  	[tilespmem:s30], [sflag:$0x3] =	stream.indirect_vreg.gather [hbm4b:s19+s1], $0x80, v7, vm0, $0xb8;
	[tilespmem:$0x1DE80] =	vst v63  }
0x217: {  	v6 =	vadd.s32 v4, v6;
	s30 =	simm.s32 $0x15E00  }
0x218: {  	[tilespmem:s30], [sflag:$0x3] =	stream.indirect_vreg.gather [hbm4b:s24+s1], $0x80, v7, vm0, $0xb8;
	[tilespmem:$0x1DE80] =	vst v63  }
0x219: {  	s30 =	simm.s32 $0x16600  }
0x21a: {  	[tilespmem:s30], [sflag:$0x3] =	stream.indirect_vreg.gather [hbm4b:s0+s1], $0x80, v7, vm0, $0xb8;
	[tilespmem:$0x1DE80] =	vst v63  }
0x21b: {  	s30 =	simm.s32 $0x16E00  }
0x21c: {  	[tilespmem:s30], [sflag:$0x3] =	stream.indirect_vreg.gather [hbm4b:s19+s1], $0x80, v6, vm0, $0xb8;
	[tilespmem:$0x1DE80] =	vst v63  }
0x21d: {  	s30 =	simm.s32 $0x17600  }
0x21e: {  	[tilespmem:s30], [sflag:$0x3] =	stream.indirect_vreg.gather [hbm4b:s24+s1], $0x80, v6, vm0, $0xb8;
	[tilespmem:$0x1DE80] =	vst v63  }
0x21f: {  	s30 =	simm.s32 $0x17E00  }
0x220: {  	[tilespmem:s30], [sflag:$0x3] =	stream.indirect_vreg.gather [hbm4b:s0+s1], $0x80, v6, vm0, $0xb8;
	[tilespmem:$0x1DE80] =	vst v63  }
0x221: {  	v6 =	vld [tilespmem:s4+$0x2A0];
	_ =	sdelay $0x4  }
0x222: {  	v7 =	vshrl.u32 v6, $0x3  }
0x223: {  	v7 =	vmul.u32 $0x30, v7  }
0x224: {  	v6 =	vand.u32 $0x7, v6  }
0x225: {  	v6 =	vor.u32 v6, v7  }
0x226: {  	v7 =	vperm.xlane v6, v3;
	_ =	sdelay $0x1  }
0x227: {  	v7 =	vadd.s32 v4, v7;
	_ =	sdelay $0x3  }
0x228: {  	s15 =	simm.s32 $0x18600;
	v6 =	vperm.xlane v6, v5  }
0x229: {  	[tilespmem:s15], [sflag:$0x3] =	stream.indirect_vreg.gather [hbm4b:s19+s1], $0x80, v7, vm0, $0xb8;
	[tilespmem:$0x1DE80] =	vst v63  }
0x22a: {  	s30 =	simm.s32 $0x18E00;
	v6 =	vadd.s32 v4, v6  }
0x22b: {  	[tilespmem:s30], [sflag:$0x3] =	stream.indirect_vreg.gather [hbm4b:s24+s1], $0x80, v7, vm0, $0xb8;
	[tilespmem:$0x1DE80] =	vst v63  }
0x22c: {  	s15 =	simm.s32 $0x19600  }
0x22d: {  	[tilespmem:s15], [sflag:$0x3] =	stream.indirect_vreg.gather [hbm4b:s0+s1], $0x80, v7, vm0, $0xb8;
	[tilespmem:$0x1DE80] =	vst v63  }
0x22e: {  	s30 =	simm.s32 $0x19E00  }
0x22f: {  	[tilespmem:s30], [sflag:$0x3] =	stream.indirect_vreg.gather [hbm4b:s19+s1], $0x80, v6, vm0, $0xb8;
	[tilespmem:$0x1DE80] =	vst v63  }
0x230: {  	s15 =	simm.s32 $0x1A600  }
0x231: {  	[tilespmem:s15], [sflag:$0x3] =	stream.indirect_vreg.gather [hbm4b:s24+s1], $0x80, v6, vm0, $0xb8;
	[tilespmem:$0x1DE80] =	vst v63  }
0x232: {  	s28 =	simm.s32 $0x1;
	s30 =	simm.s32 $0x1AE00  }
0x233: {  	[tilespmem:s30], [sflag:$0x3] =	stream.indirect_vreg.gather [hbm4b:s0+s1], $0x80, v6, vm0, $0xb8;
	[tilespmem:$0x1DE80] =	vst v63  }
0x234: {  	_ =	swait.ge [sflag:s28], $0x9000  }
0x235: {  	[sflag:s28] =	ssyncset.done $0x0  }
0x236: {  	s12 =	simm.s32 $0x600;
	s4 =	rddreg [dreg:$0x10];
	[sflag:s28] =	ssyncadd.s32 $0xFFFF7000  }
0x237: {  	[hbm4b:s4+s1] =	stream.linear.scatter [tilespmem:s12], [sflag:$0x4], $0x9000, $0x38;
	[tilespmem:$0x1DE80] =	vst v63  }
0x238: {  	_ =	swait.ge [sflag:s17], $0x9000  }
0x239: {  	[sflag:s17] =	ssyncset.done $0x0  }
0x23a: {  	[sflag:s17] =	ssyncadd.s32 $0xFFFF7000;
	s17 =	rddreg [dreg:$0x11]  }
0x23b: {  	[hbm4b:s17+s1] =	stream.linear.scatter [tilespmem:s5], [sflag:$0x5], $0x9000, $0x38;
	[tilespmem:$0x1DE80] =	vst v63  }
0x23c: {  	_ =	swait.ge [sflag:s20], $0x9000  }
0x23d: {  	[sflag:s20] =	ssyncset.done $0x0;
	s30 =	rddreg [dreg:$0x13]  }
0x23e: {  	s5 =	simm.s32 $0x4;
	s17 =	rddreg [dreg:$0x1c];
	[sflag:s20] =	ssyncadd.s32 $0xFFFF7000  }
0x23f: {  	[hbm4b:s30+s1] =	stream.linear.scatter [tilespmem:s2], [sflag:$0x6], $0x9000, $0x38;
	[tilespmem:$0x1DE80] =	vst v63  }
0x240: {  	s20 =	simm.s32 $0x40;
	s4 =	rddreg [dreg:$0x5];
	s30 =	simm.s32 $0x1B600  }
0x241: {  	[tilespmem:s30], [sflag:$0x7] =	stream.indirect.gather [hbm4b:s4+s20], $0x80, s17, s20, $0xb8;
	[tilespmem:$0x1DE80] =	vst v63  }
0x242: {  	_ =	swait.ge [sflag:s5], $0x9000  }
0x243: {  	[sflag:s5] =	ssyncset.done $0x0  }
0x244: {  	[sflag:s5] =	ssyncadd.s32 $0xFFFF7000  }
0x245: {  	v6 =	vld @!p0 [tilespmem:$0x3A0];
	_ =	sdelay $0x4  }
0x246: {  	v7 =	vshrl.u32 @!p0 v6, $0x3  }
0x247: {  	v7 =	vmul.u32 @!p0 $0x30, v7  }
0x248: {  	v8 =	vlaneseq.u32 @!p0;
	v6 =	vand.u32 @!p0 $0x7, v6  }
0x249: {  	v9 =	vshrl.u32 @!p0 v8, $0x3;
	v6 =	vor.u32 @!p0 v6, v7;
	v7 =	vand.u32 @!p0 $0x7, v8  }
0x24a: {  	v9 =	vmul.u32 @!p0 $0x8, v9;
	v10 =	vperm.xlane @!p0 v6, v7;
	_ =	sdelay $0x1  }
0x24b: {  	v10 =	vadd.s32 @!p0 v9, v10;
	_ =	sdelay $0x2  }
0x24c: {  	v8 =	vor.u32 @!p0 $0x8, v8  }
0x24d: {  	s15 =	simm.s32 @!p0 $0x0;
	s17 =	simm.s32 @!p0 $0x600;
	v6 =	vperm.xlane @!p0 v6, v8  }
0x24e: {  	[tilespmem:s17], [sflag:$0x1] =	stream.indirect_vreg.gather @!p0 [hbm4b:s19+s15], $0x80, v10, vm3, $0xb8;
	[tilespmem:$0x1DE80] =	vst v63  }
0x24f: {  	s20 =	simm.s32 @!p0 $0xE00;
	v6 =	vadd.s32 @!p0 v9, v6  }
0x250: {  	[tilespmem:s20], [sflag:$0x1] =	stream.indirect_vreg.gather @!p0 [hbm4b:s24+s15], $0x80, v10, vm3, $0xb8;
	[tilespmem:$0x1DE80] =	vst v63  }
0x251: {  	s20 =	simm.s32 @!p0 $0x1600  }
0x252: {  	[tilespmem:s20], [sflag:$0x1] =	stream.indirect_vreg.gather @!p0 [hbm4b:s0+s15], $0x80, v10, vm3, $0xb8;
	[tilespmem:$0x1DE80] =	vst v63  }
0x253: {  	s20 =	simm.s32 @!p0 $0x1E00  }
0x254: {  	[tilespmem:s20], [sflag:$0x1] =	stream.indirect_vreg.gather @!p0 [hbm4b:s19+s15], $0x80, v6, vm3, $0xb8;
	[tilespmem:$0x1DE80] =	vst v63  }
0x255: {  	s20 =	simm.s32 @!p0 $0x2600  }
0x256: {  	[tilespmem:s20], [sflag:$0x1] =	stream.indirect_vreg.gather @!p0 [hbm4b:s24+s15], $0x80, v6, vm3, $0xb8;
	[tilespmem:$0x1DE80] =	vst v63  }
0x257: {  	s20 =	simm.s32 @!p0 $0x2E00  }
0x258: {  	[tilespmem:s20], [sflag:$0x1] =	stream.indirect_vreg.gather @!p0 [hbm4b:s0+s15], $0x80, v6, vm3, $0xb8;
	[tilespmem:$0x1DE80] =	vst v63  }
0x259: {  	v6 =	vld @!p0 [tilespmem:$0x3B0];
	_ =	sdelay $0x4  }
0x25a: {  	v10 =	vshrl.u32 @!p0 v6, $0x3  }
0x25b: {  	v10 =	vmul.u32 @!p0 $0x30, v10  }
0x25c: {  	v6 =	vand.u32 @!p0 $0x7, v6  }
0x25d: {  	v6 =	vor.u32 @!p0 v6, v10  }
0x25e: {  	v10 =	vperm.xlane @!p0 v6, v7;
	_ =	sdelay $0x1  }
0x25f: {  	v10 =	vadd.s32 @!p0 v9, v10;
	_ =	sdelay $0x3  }
0x260: {  	s20 =	simm.s32 @!p0 $0x3600;
	v6 =	vperm.xlane @!p0 v6, v8  }
0x261: {  	[tilespmem:s20], [sflag:$0x1] =	stream.indirect_vreg.gather @!p0 [hbm4b:s19+s15], $0x80, v10, vm3, $0xb8;
	[tilespmem:$0x1DE80] =	vst v63  }
0x262: {  	v6 =	vadd.s32 @!p0 v9, v6;
	s20 =	simm.s32 @!p0 $0x3E00  }
0x263: {  	[tilespmem:s20], [sflag:$0x1] =	stream.indirect_vreg.gather @!p0 [hbm4b:s24+s15], $0x80, v10, vm3, $0xb8;
	[tilespmem:$0x1DE80] =	vst v63  }
0x264: {  	s20 =	simm.s32 @!p0 $0x4600  }
0x265: {  	[tilespmem:s20], [sflag:$0x1] =	stream.indirect_vreg.gather @!p0 [hbm4b:s0+s15], $0x80, v10, vm3, $0xb8;
	[tilespmem:$0x1DE80] =	vst v63  }
0x266: {  	s20 =	simm.s32 @!p0 $0x4E00  }
0x267: {  	[tilespmem:s20], [sflag:$0x1] =	stream.indirect_vreg.gather @!p0 [hbm4b:s19+s15], $0x80, v6, vm3, $0xb8;
	[tilespmem:$0x1DE80] =	vst v63  }
0x268: {  	s20 =	simm.s32 @!p0 $0x5600  }
0x269: {  	[tilespmem:s20], [sflag:$0x1] =	stream.indirect_vreg.gather @!p0 [hbm4b:s24+s15], $0x80, v6, vm3, $0xb8;
	[tilespmem:$0x1DE80] =	vst v63  }
0x26a: {  	s20 =	simm.s32 @!p0 $0x5E00  }
0x26b: {  	[tilespmem:s20], [sflag:$0x1] =	stream.indirect_vreg.gather @!p0 [hbm4b:s0+s15], $0x80, v6, vm3, $0xb8;
	[tilespmem:$0x1DE80] =	vst v63  }
0x26c: {  	v6 =	vld @!p0 [tilespmem:$0x3C0];
	_ =	sdelay $0x4  }
0x26d: {  	v10 =	vshrl.u32 @!p0 v6, $0x3  }
0x26e: {  	v10 =	vmul.u32 @!p0 $0x30, v10  }
0x26f: {  	v6 =	vand.u32 @!p0 $0x7, v6  }
0x270: {  	v6 =	vor.u32 @!p0 v6, v10  }
0x271: {  	v7 =	vperm.xlane @!p0 v6, v7;
	_ =	sdelay $0x1  }
0x272: {  	v7 =	vadd.s32 @!p0 v9, v7;
	_ =	sdelay $0x3  }
0x273: {  	s20 =	simm.s32 @!p0 $0x6600;
	v6 =	vperm.xlane @!p0 v6, v8  }
0x274: {  	[tilespmem:s20], [sflag:$0x1] =	stream.indirect_vreg.gather @!p0 [hbm4b:s19+s15], $0x80, v7, vm3, $0xb8;
	[tilespmem:$0x1DE80] =	vst v63  }
0x275: {  	v6 =	vadd.s32 @!p0 v9, v6;
	s20 =	simm.s32 @!p0 $0x6E00  }
0x276: {  	[tilespmem:s20], [sflag:$0x1] =	stream.indirect_vreg.gather @!p0 [hbm4b:s24+s15], $0x80, v7, vm3, $0xb8;
	[tilespmem:$0x1DE80] =	vst v63  }
0x277: {  	s20 =	simm.s32 @!p0 $0x7600  }
0x278: {  	[tilespmem:s20], [sflag:$0x1] =	stream.indirect_vreg.gather @!p0 [hbm4b:s0+s15], $0x80, v7, vm3, $0xb8;
	[tilespmem:$0x1DE80] =	vst v63  }
0x279: {  	s20 =	simm.s32 @!p0 $0x7E00  }
0x27a: {  	[tilespmem:s20], [sflag:$0x1] =	stream.indirect_vreg.gather @!p0 [hbm4b:s19+s15], $0x80, v6, vm3, $0xb8;
	[tilespmem:$0x1DE80] =	vst v63  }
0x27b: {  	s20 =	simm.s32 @!p0 $0x8600  }
0x27c: {  	[tilespmem:s20], [sflag:$0x1] =	stream.indirect_vreg.gather @!p0 [hbm4b:s24+s15], $0x80, v6, vm3, $0xb8;
	[tilespmem:$0x1DE80] =	vst v63  }
0x27d: {  	s20 =	simm.s32 @!p0 $0x8E00  }
0x27e: {  	[tilespmem:s20], [sflag:$0x1] =	stream.indirect_vreg.gather @!p0 [hbm4b:s0+s15], $0x80, v6, vm3, $0xb8;
	[tilespmem:$0x1DE80] =	vst v63  }
0x27f: {  	s20 =	simm.s32 @!p0 $0x1  }
0x280: {  	_ =	swait.ge @!p0 [sflag:s20], $0x9000  }
0x281: {  	[sflag:s20] =	ssyncset.done @!p0 $0x0  }
0x282: {  	s4 =	rddreg [dreg:$0x18];
	[sflag:s20] =	ssyncadd.s32 @!p0 $0xFFFF7000  }
0x283: {  	[hbm4b:s4+s15] =	stream.linear.scatter @!p0 [tilespmem:s17], [sflag:$0x4], $0x9000, $0x38;
	[tilespmem:$0x1DE80] =	vst v63  }
0x284: {  	s15 =	simm.s32 @!p0 $0x4  }
0x285: {  	_ =	swait.ge @!p0 [sflag:s15], $0x9000  }
0x286: {  	[sflag:s15] =	ssyncset.done @!p0 $0x0  }
0x287: {  	[sflag:s15] =	ssyncadd.s32 @!p0 $0xFFFF7000  }
0x288: {  	v6 =	vld @p2 [tilespmem:$0x4F0];
	_ =	sdelay $0x4  }
0x289: {  	v7 =	vshrl.u32 @p2 v6, $0x3  }
0x28a: {  	v7 =	vmul.u32 @p2 $0x30, v7  }
0x28b: {  	v6 =	vand.u32 @p2 $0x7, v6  }
0x28c: {  	v6 =	vor.u32 @p2 v6, v7  }
0x28d: {  	v7 =	vperm.xlane @p2 v6, v3;
	_ =	sdelay $0x1  }
0x28e: {  	v7 =	vadd.s32 @p2 v4, v7;
	_ =	sdelay $0x3  }
0x28f: {  	v6 =	vperm.xlane @p2 v6, v5  }
0x290: {  	[tilespmem:s12], [sflag:$0x1] =	stream.indirect_vreg.gather @p2 [hbm4b:s19+s1], $0x80, v7, vm0, $0xb8;
	[tilespmem:$0x1DE80] =	vst v63  }
0x291: {  	s31 =	simm.s32 $0xE00;
	v6 =	vadd.s32 @p2 v4, v6  }
0x292: {  	[tilespmem:s31], [sflag:$0x1] =	stream.indirect_vreg.gather @p2 [hbm4b:s24+s1], $0x80, v7, vm0, $0xb8;
	[tilespmem:$0x1DE80] =	vst v63  }
0x293: {  	s6 =	simm.s32 $0x1600  }
0x294: {  	[tilespmem:s6], [sflag:$0x1] =	stream.indirect_vreg.gather @p2 [hbm4b:s0+s1], $0x80, v7, vm0, $0xb8;
	[tilespmem:$0x1DE80] =	vst v63  }
0x295: {  	s17 =	simm.s32 $0x1E00  }
0x296: {  	[tilespmem:s17], [sflag:$0x1] =	stream.indirect_vreg.gather @p2 [hbm4b:s19+s1], $0x80, v6, vm0, $0xb8;
	[tilespmem:$0x1DE80] =	vst v63  }
0x297: {  	s20 =	simm.s32 $0x2600  }
0x298: {  	[tilespmem:s20], [sflag:$0x1] =	stream.indirect_vreg.gather @p2 [hbm4b:s24+s1], $0x80, v6, vm0, $0xb8;
	[tilespmem:$0x1DE80] =	vst v63  }
0x299: {  	s2 =	simm.s32 @p2 $0x2E00  }
0x29a: {  	[tilespmem:s2], [sflag:$0x1] =	stream.indirect_vreg.gather @p2 [hbm4b:s0+s1], $0x80, v6, vm0, $0xb8;
	[tilespmem:$0x1DE80] =	vst v63  }
0x29b: {  	v6 =	vld.msk @p2 [tilespmem:$0x500], $0xff;
	_ =	sdelay $0x4  }
0x29c: {  	v7 =	vshrl.u32 @p2 v6, $0x3  }
0x29d: {  	v7 =	vmul.u32 @p2 $0x30, v7  }
0x29e: {  	v6 =	vand.u32 @p2 $0x7, v6  }
0x29f: {  	v6 =	vor.u32 @p2 v6, v7  }
0x2a0: {  	v6 =	vperm.xlane @p2 v6, v3;
	_ =	sdelay $0x1  }
0x2a1: {  	v6 =	vadd.s32 @p2 v4, v6;
	_ =	sdelay $0x3  }
0x2a2: {  	s2 =	simm.s32 @p2 $0x3600  }
0x2a3: {  	[tilespmem:s2], [sflag:$0x1] =	stream.indirect_vreg.gather @p2 [hbm4b:s19+s1], $0x80, v6, vm0, $0xb8;
	[tilespmem:$0x1DE80] =	vst v63  }
0x2a4: {  	s21 =	simm.s32 $0x3E00  }
0x2a5: {  	[tilespmem:s21], [sflag:$0x1] =	stream.indirect_vreg.gather @p2 [hbm4b:s24+s1], $0x80, v6, vm0, $0xb8;
	[tilespmem:$0x1DE80] =	vst v63  }
0x2a6: {  	s11 =	simm.s32 $0x4600  }
0x2a7: {  	[tilespmem:s11], [sflag:$0x1] =	stream.indirect_vreg.gather @p2 [hbm4b:s0+s1], $0x80, v6, vm0, $0xb8;
	[tilespmem:$0x1DE80] =	vst v63  }
0x2a8: {  	_ =	swait.ge @p2 [sflag:s28], $0x4800  }
0x2a9: {  	[sflag:s28] =	ssyncset.done @p2 $0x0  }
0x2aa: {  	s4 =	rddreg @p2 [dreg:$0x19];
	[sflag:s28] =	ssyncadd.s32 @p2 $0xFFFFB800  }
0x2ab: {  	[hbm4b:s4+s1] =	stream.linear.scatter @p2 [tilespmem:s12], [sflag:$0x4], $0x4800, $0x38;
	[tilespmem:$0x1DE80] =	vst v63  }
0x2ac: {  	_ =	swait.ge @p2 [sflag:s5], $0x4800  }
0x2ad: {  	[sflag:s5] =	ssyncset.done @p2 $0x0  }
0x2ae: {  	s30 =	simm.s32 $0x5;
	[sflag:s5] =	ssyncadd.s32 @p2 $0xFFFFB800  }
0x2af: {  	_ =	swait.ge [sflag:s30], $0x9000  }
0x2b0: {  	[sflag:s30] =	ssyncset.done $0x0  }
0x2b1: {  	s4 =	simm.s32 $0x6;
	[sflag:s30] =	ssyncadd.s32 $0xFFFF7000  }
0x2b2: {  	_ =	swait.ge [sflag:s4], $0x9000  }
0x2b3: {  	[sflag:s4] =	ssyncset.done $0x0  }
0x2b4: {  	s15 =	rddreg [dreg:$0x12];
	[sflag:s4] =	ssyncadd.s32 $0xFFFF7000  }
0x2b5: {  	v6 =	vld [tilespmem:s15+$0x580];
	_ =	sdelay $0x4  }
0x2b6: {  	v7 =	vshrl.u32 v6, $0x3  }
0x2b7: {  	v7 =	vmul.u32 $0x30, v7  }
0x2b8: {  	v6 =	vand.u32 $0x7, v6  }
0x2b9: {  	v6 =	vor.u32 v6, v7  }
0x2ba: {  	v7 =	vperm.xlane v6, v3;
	_ =	sdelay $0x1  }
0x2bb: {  	v7 =	vadd.s32 v4, v7;
	_ =	sdelay $0x3  }
0x2bc: {  	s4 =	rddreg [dreg:$0x4];
	v6 =	vperm.xlane v6, v5  }
0x2bd: {  	[tilespmem:s12], [sflag:$0x1] =	stream.indirect_vreg.gather [hbm4b:s4+s1], $0x80, v7, vm0, $0xb8;
	[tilespmem:$0x1DE80] =	vst v63  }
0x2be: {  	v6 =	vadd.s32 v4, v6  }
0x2bf: {  	[tilespmem:s31], [sflag:$0x1] =	stream.indirect_vreg.gather [hbm4b:s22+s1], $0x80, v7, vm0, $0xb8;
	[tilespmem:$0x1DE80] =	vst v63  }
0x2c0: {  	_ = 	snop  }
0x2c1: {  	[tilespmem:s6], [sflag:$0x1] =	stream.indirect_vreg.gather [hbm4b:s25+s1], $0x80, v7, vm0, $0xb8;
	[tilespmem:$0x1DE80] =	vst v63  }
0x2c2: {  	_ = 	snop  }
0x2c3: {  	[tilespmem:s17], [sflag:$0x1] =	stream.indirect_vreg.gather [hbm4b:s4+s1], $0x80, v6, vm0, $0xb8;
	[tilespmem:$0x1DE80] =	vst v63  }
0x2c4: {  	_ = 	snop  }
0x2c5: {  	[tilespmem:s20], [sflag:$0x1] =	stream.indirect_vreg.gather [hbm4b:s22+s1], $0x80, v6, vm0, $0xb8;
	[tilespmem:$0x1DE80] =	vst v63  }
0x2c6: {  	s6 =	simm.s32 $0x2E00  }
0x2c7: {  	[tilespmem:s6], [sflag:$0x1] =	stream.indirect_vreg.gather [hbm4b:s25+s1], $0x80, v6, vm0, $0xb8;
	[tilespmem:$0x1DE80] =	vst v63  }
0x2c8: {  	v6 =	vld [tilespmem:s15+$0x590];
	_ =	sdelay $0x4  }
0x2c9: {  	v7 =	vshrl.u32 v6, $0x3  }
0x2ca: {  	v7 =	vmul.u32 $0x30, v7  }
0x2cb: {  	v6 =	vand.u32 $0x7, v6  }
0x2cc: {  	v6 =	vor.u32 v6, v7  }
0x2cd: {  	v7 =	vperm.xlane v6, v3;
	_ =	sdelay $0x1  }
0x2ce: {  	v7 =	vadd.s32 v4, v7;
	_ =	sdelay $0x3  }
0x2cf: {  	s17 =	simm.s32 $0x3600;
	v6 =	vperm.xlane v6, v5  }
0x2d0: {  	[tilespmem:s17], [sflag:$0x1] =	stream.indirect_vreg.gather [hbm4b:s4+s1], $0x80, v7, vm0, $0xb8;
	[tilespmem:$0x1DE80] =	vst v63  }
0x2d1: {  	v6 =	vadd.s32 v4, v6  }
0x2d2: {  	[tilespmem:s21], [sflag:$0x1] =	stream.indirect_vreg.gather [hbm4b:s22+s1], $0x80, v7, vm0, $0xb8;
	[tilespmem:$0x1DE80] =	vst v63  }
0x2d3: {  	_ = 	snop  }
0x2d4: {  	[tilespmem:s11], [sflag:$0x1] =	stream.indirect_vreg.gather [hbm4b:s25+s1], $0x80, v7, vm0, $0xb8;
	[tilespmem:$0x1DE80] =	vst v63  }
0x2d5: {  	s20 =	simm.s32 $0x4E00  }
0x2d6: {  	[tilespmem:s20], [sflag:$0x1] =	stream.indirect_vreg.gather [hbm4b:s4+s1], $0x80, v6, vm0, $0xb8;
	[tilespmem:$0x1DE80] =	vst v63  }
0x2d7: {  	s21 =	simm.s32 $0x5600  }
0x2d8: {  	[tilespmem:s21], [sflag:$0x1] =	stream.indirect_vreg.gather [hbm4b:s22+s1], $0x80, v6, vm0, $0xb8;
	[tilespmem:$0x1DE80] =	vst v63  }
0x2d9: {  	s31 =	simm.s32 $0x5E00;
	s6 =	rddreg [dreg:$0x14]  }
0x2da: {  	[tilespmem:s31], [sflag:$0x1] =	stream.indirect_vreg.gather [hbm4b:s25+s1], $0x80, v6, vm0, $0xb8;
	[tilespmem:$0x1DE80] =	vst v63  }
0x2db: {  	v6 =	vld [tilespmem:s6+$0x580];
	_ =	sdelay $0x4  }
0x2dc: {  	v7 =	vshrl.u32 v6, $0x3  }
0x2dd: {  	v7 =	vmul.u32 $0x30, v7  }
0x2de: {  	v6 =	vand.u32 $0x7, v6  }
0x2df: {  	v6 =	vor.u32 v6, v7  }
0x2e0: {  	v7 =	vperm.xlane v6, v3;
	_ =	sdelay $0x1  }
0x2e1: {  	v7 =	vadd.s32 v4, v7;
	_ =	sdelay $0x3  }
0x2e2: {  	s11 =	simm.s32 $0x9600;
	v6 =	vperm.xlane v6, v5  }
0x2e3: {  	[tilespmem:s11], [sflag:$0x2] =	stream.indirect_vreg.gather [hbm4b:s4+s1], $0x80, v7, vm0, $0xb8;
	[tilespmem:$0x1DE80] =	vst v63  }
0x2e4: {  	s26 =	simm.s32 $0x9E00;
	v6 =	vadd.s32 v4, v6  }
0x2e5: {  	[tilespmem:s26], [sflag:$0x2] =	stream.indirect_vreg.gather [hbm4b:s22+s1], $0x80, v7, vm0, $0xb8;
	[tilespmem:$0x1DE80] =	vst v63  }
0x2e6: {  	s8 =	simm.s32 $0xA600  }
0x2e7: {  	[tilespmem:s8], [sflag:$0x2] =	stream.indirect_vreg.gather [hbm4b:s25+s1], $0x80, v7, vm0, $0xb8;
	[tilespmem:$0x1DE80] =	vst v63  }
0x2e8: {  	s9 =	simm.s32 $0xAE00  }
0x2e9: {  	[tilespmem:s9], [sflag:$0x2] =	stream.indirect_vreg.gather [hbm4b:s4+s1], $0x80, v6, vm0, $0xb8;
	[tilespmem:$0x1DE80] =	vst v63  }
0x2ea: {  	s10 =	simm.s32 $0xB600  }
0x2eb: {  	[tilespmem:s10], [sflag:$0x2] =	stream.indirect_vreg.gather [hbm4b:s22+s1], $0x80, v6, vm0, $0xb8;
	[tilespmem:$0x1DE80] =	vst v63  }
0x2ec: {  	s7 =	simm.s32 $0xBE00  }
0x2ed: {  	[tilespmem:s7], [sflag:$0x2] =	stream.indirect_vreg.gather [hbm4b:s25+s1], $0x80, v6, vm0, $0xb8;
	[tilespmem:$0x1DE80] =	vst v63  }
0x2ee: {  	v6 =	vld [tilespmem:s6+$0x590];
	_ =	sdelay $0x4  }
0x2ef: {  	v7 =	vshrl.u32 v6, $0x3  }
0x2f0: {  	v7 =	vmul.u32 $0x30, v7  }
0x2f1: {  	v6 =	vand.u32 $0x7, v6  }
0x2f2: {  	v6 =	vor.u32 v6, v7  }
0x2f3: {  	v7 =	vperm.xlane v6, v3;
	_ =	sdelay $0x1  }
0x2f4: {  	v7 =	vadd.s32 v4, v7;
	_ =	sdelay $0x3  }
0x2f5: {  	s15 =	simm.s32 $0xC600;
	v6 =	vperm.xlane v6, v5  }
0x2f6: {  	[tilespmem:s15], [sflag:$0x2] =	stream.indirect_vreg.gather [hbm4b:s4+s1], $0x80, v7, vm0, $0xb8;
	[tilespmem:$0x1DE80] =	vst v63  }
0x2f7: {  	s13 =	simm.s32 $0xCE00;
	v6 =	vadd.s32 v4, v6  }
0x2f8: {  	[tilespmem:s13], [sflag:$0x2] =	stream.indirect_vreg.gather [hbm4b:s22+s1], $0x80, v7, vm0, $0xb8;
	[tilespmem:$0x1DE80] =	vst v63  }
0x2f9: {  	s14 =	simm.s32 $0xD600  }
0x2fa: {  	[tilespmem:s14], [sflag:$0x2] =	stream.indirect_vreg.gather [hbm4b:s25+s1], $0x80, v7, vm0, $0xb8;
	[tilespmem:$0x1DE80] =	vst v63  }
0x2fb: {  	s18 =	simm.s32 $0xDE00  }
0x2fc: {  	[tilespmem:s18], [sflag:$0x2] =	stream.indirect_vreg.gather [hbm4b:s4+s1], $0x80, v6, vm0, $0xb8;
	[tilespmem:$0x1DE80] =	vst v63  }
0x2fd: {  	s17 =	simm.s32 $0xE600  }
0x2fe: {  	[tilespmem:s17], [sflag:$0x2] =	stream.indirect_vreg.gather [hbm4b:s22+s1], $0x80, v6, vm0, $0xb8;
	[tilespmem:$0x1DE80] =	vst v63  }
0x2ff: {  	s23 =	simm.s32 $0xEE00  }
0x300: {  	[tilespmem:s23], [sflag:$0x2] =	stream.indirect_vreg.gather [hbm4b:s25+s1], $0x80, v6, vm0, $0xb8;
	[tilespmem:$0x1DE80] =	vst v63  }
0x301: {  	_ =	swait.ge [sflag:s28], $0x6000  }
0x302: {  	[sflag:s28] =	ssyncset.done $0x0  }
0x303: {  	s20 =	simm.s32 $0x2;
	s18 =	rddreg [dreg:$0x15];
	[sflag:s28] =	ssyncadd.s32 $0xFFFFA000  }
0x304: {  	[hbm4b:s18+s1] =	stream.linear.scatter [tilespmem:s12], [sflag:$0x4], $0x6000, $0x38;
	[tilespmem:$0x1DE80] =	vst v63  }
0x305: {  	_ =	swait.ge [sflag:s20], $0x6000  }
0x306: {  	[sflag:s20] =	ssyncset.done $0x0  }
0x307: {  	s23 =	simm.s32 $0x7;
	s21 =	rddreg [dreg:$0x16];
	[sflag:s20] =	ssyncadd.s32 $0xFFFFA000  }
0x308: {  	[hbm4b:s21+s1] =	stream.linear.scatter [tilespmem:s11], [sflag:$0x5], $0x6000, $0x38;
	[tilespmem:$0x1DE80] =	vst v63  }
0x309: {  	_ =	swait.ge [sflag:s23], $0x2000  }
0x30a: {  	[sflag:s23] =	ssyncset.done $0x0  }
0x30b: {  	s28 =	simm.s32 $0x1B600;
	s26 =	rddreg [dreg:$0x1a];
	[sflag:s23] =	ssyncadd.s32 $0xFFFFE000  }
0x30c: {  	[hbm4b:s26+s1] =	stream.linear.scatter [tilespmem:s28], [sflag:$0x7], $0x2000, $0x38;
	[tilespmem:$0x1DE80] =	vst v63  }
0x30d: {  	_ =	swait.ge [sflag:s5], $0x6000  }
0x30e: {  	[sflag:s5] =	ssyncset.done $0x0  }
0x30f: {  	[sflag:s5] =	ssyncadd.s32 $0xFFFFA000  }
0x310: {  	_ =	swait.ge [sflag:s30], $0x6000  }
0x311: {  	[sflag:s30] =	ssyncset.done $0x0  }
0x312: {  	[sflag:s30] =	ssyncadd.s32 $0xFFFFA000  }
0x313: {  	_ =	swait.ge [sflag:s23], $0x2000  }
0x314: {  	[sflag:s23] =	ssyncset.done $0x0  }
0x315: {  	[sflag:s23] =	ssyncadd.s32 $0xFFFFE000  }
0x316: {  	s15 =	simm.s32 @!p1 $0x0;
	s17 =	simm.s32 @!p1 $0x1DE00;
	s20 =	rddreg [dreg:$0x2]  }
0x317: {  	[tilespmem:s17], [sflag:$0x8] =	stream.linear.gather @!p1 [hbm4b:s20+s15], $0x80, $0x38;
	[tilespmem:$0x1DE80] =	vst v63  }
0x318: {  	s20 =	simm.s32 @!p1 $0x8  }
0x319: {  	_ =	swait.ge @!p1 [sflag:s20], $0x80  }
0x31a: {  	[sflag:s20] =	ssyncset.done @!p1 $0x0  }
0x31b: {  	[sflag:s20] =	ssyncadd.s32 @!p1 $0xFFFFFF80  }
0x31c: {  	s31 =	simm.s32 @!p1 $0x1D600;
	s23 =	simm.s32 @!p1 $0x10;
	s4 =	rddreg [dreg:$0x6]  }
0x31d: {  	[tilespmem:s31], [sflag:$0x7] =	stream.indirect.gather @!p1 [hbm4b:s4+s23], $0x80, s17, s23, $0xb8;
	[tilespmem:$0x1DE80] =	vst v63  }
0x31e: {  	s17 =	simm.s32 @!p1 $0x7  }
0x31f: {  	_ =	swait.ge @!p1 [sflag:s17], $0x800  }
0x320: {  	[sflag:s17] =	ssyncset.done @!p1 $0x0  }
0x321: {  	[sflag:s17] =	ssyncadd.s32 @!p1 $0xFFFFF800  }
0x322: {  	s4 =	rddreg [dreg:$0x9]  }
0x323: {  	[hbm4b:s4+s15] =	stream.linear.scatter @!p1 [tilespmem:s31], [sflag:$0x8], $0x800, $0x38;
	[tilespmem:$0x1DE80] =	vst v63  }
0x324: {  	_ =	swait.ge @!p1 [sflag:s20], $0x800  }
0x325: {  	s16 =	sadd.s32 $0x1, s16;
	s31 =	rddreg [dreg:$0x1b]  }
0x326: {  	p3 =	sne.s32 s16, s31  }
.Ltmp2:
0x327: {  	_ = 	snop;
	(pc) =	sbr.rel @p3 .LBB2_1-.Ltmp2, $3  }
0x328: {  	_ =	sdelay $0x1  }
0x329: {  	s8 =	simm.s32 $0x3E00;
	[sflag:s20] =	ssyncset.done @!p1 $0x0  }
0x32a: {  	s9 =	simm.s32 $0x4600;
	s6 =	simm.s32 $0x3600;
	[sflag:s20] =	ssyncadd.s32 @!p1 $0xFFFFF800  }
0x32b: {  	_ =	sfence.sel $0x180000  }
0x32c: {  	[bflag:$0x0] =	sbarrier.arrive $0xFFFF  }
0x32d: {  	_ =	strace $0x90000047  }
0x32e: {  	s0 =	stileid.u32;
	[bflag:$0x2] =	sbarrier.arrive $0xFFFF  }
0x32f: {  	p0 =	sne.s32 s0, $0x0;
	s0 =	rddreg [dreg:$0xa]  }
0x330: {  	s0 =	sadd.s32 @!p0 $0x100000, s0  }
0x331: {  	[sflag:s0] =	ssyncadd.tile.s32 @!p0 $0x1;
	_ =	shalt  }
.Lfunc_end2:
_tile_overlayer_lowered:
.L_overlay_start_2:
0x332: {  	(tag) =	ssettag $0x2  }
0x333: {  	s0 =	rddreg [dreg:$0x0];
	s2 =	stileid.u32  }
0x334: {  	s1 =	rddreg [dreg:$0x1];
	p0 =	sne.s32 s2, $0x0  }
0x335: {  	s3 =	rddreg [dreg:$0x2];
	[bflag:$0x3] =	sbarrier.arrive $0xFFFF;
	s2 =	simm.s32 @!p0 $0x1C08  }
0x336: {  	[timem:s3], [sflag:s2] =	dma.local @!p0 [hbm:s0], s1  }
0x337: {  	s0 =	simm.s32 @!p0 $0x8  }
0x338: {  	_ =	swait.ge @!p0 [sflag:s0], s1  }
0x339: {  	s1 =	ssub.s32 @!p0 $0x0, s1;
	[sflag:s0] =	ssyncset.done @!p0 $0x0  }
0x33a: {  	[sflag:s0] =	ssyncadd.s32 @!p0 s1  }
0x33b: {  	[bflag:$0x3] =	sbarrier.arrive $0xFFFF  }
0x33c: {  	_ =	shalt  }

</sc_bundles>
